<compile_context>
chip_gen: v7x
topology: tpu7x:2x2x1
jax: 0.10.2.dev20260603
libtpu: 0.0.44.dev20260713+nightly
codegen_flags: <defaults>
</compile_context>

<pallas_src>
import functools

import jax
import jax.numpy as jnp
from jax import lax
from jax.experimental import pallas as pl
from jax.experimental.pallas import tpu as pltpu
from jax.experimental.pallas import tpu_sc as plsc

N = 10000
D = 128
E = 320000

NP = 10240
NW = 32
CHUNK = 128
KCH = 80
EPW = CHUNK * KCH
EP = NW * EPW
DUMMY_DST = N + 8
RPS = NP // 16

_f32 = jnp.float32
_HI = lax.Precision.HIGHEST


def _seg_partial_sums(table, src3, dst3, W):
    nv = W // 16
    mesh = plsc.VectorSubcoreMesh(core_axis_name="c", subcore_axis_name="s")

    @functools.partial(
        pl.kernel,
        out_type=jax.ShapeDtypeStruct((2, NP, W), _f32),
        mesh=mesh,
        scratch_types=[
            pltpu.VMEM((KCH, CHUNK), jnp.int32),
            pltpu.VMEM((KCH, CHUNK), jnp.int32),
            pltpu.VMEM((CHUNK, W), _f32),
            pltpu.VMEM_SHARED((NP, W), _f32),
            pltpu.SemaphoreType.DMA,
        ],
        compiler_params=pltpu.CompilerParams(use_tc_tiling_on_sc=False),
    )
    def k(table_hbm, src_hbm, dst_hbm, out_hbm, src_v, dst_v, rows_v, acc, sem):
        c = lax.axis_index("c")
        s = lax.axis_index("s")
        wid = s * 2 + c
        pltpu.sync_copy(src_hbm.at[wid], src_v)
        pltpu.sync_copy(dst_hbm.at[wid], dst_v)

        zz = jnp.zeros((16,), _f32)

        def zrow(i, carry):
            for j in range(nv):
                rows_v[i, pl.ds(j * 16, 16)] = zz
            return carry

        lax.fori_loop(0, CHUNK, zrow, 0)
        for t in range(RPS // CHUNK):
            pltpu.sync_copy(rows_v, acc.at[pl.ds(s * RPS + t * CHUNK, CHUNK)])
        plsc.subcore_barrier()

        def chunk_body(g, carry):
            pltpu.async_copy(table_hbm.at[src_v.at[g]], rows_v, sem).wait()
            pltpu.sync_copy(rows_v, acc.at[dst_v.at[g]], add=True)
            return carry

        lax.fori_loop(0, KCH, chunk_body, 0)
        plsc.subcore_barrier()

        for t in range(RPS // CHUNK):
            off = s * RPS + t * CHUNK
            pltpu.sync_copy(acc.at[pl.ds(off, CHUNK)],
                            out_hbm.at[c, pl.ds(off, CHUNK)])

    return k(table, src3, dst3)


BLK = 2048
GRID = NP // BLK


def _rows(shape):
    nd = len(shape)
    if nd == 1:
        return pl.BlockSpec((BLK,), lambda i: (i,))
    blk = shape[:-2] + (BLK, shape[-1])
    idx = {2: (lambda i: (i, 0)), 3: (lambda i: (0, i, 0))}[nd]
    return pl.BlockSpec(blk, idx)


def _whole(shape):
    return pl.BlockSpec(shape, lambda i: (0,) * len(shape))


def _d1(x_ref, wl_ref, wr_ref, b_ref, paug_ref, r_ref):
    x = x_ref[...]
    p = jnp.dot(x, wl_ref[...], preferred_element_type=_f32, precision=_HI)
    paug_ref[...] = jnp.concatenate([p, jnp.ones((BLK, 16), _f32)], axis=1)
    r_ref[...] = (
        jnp.dot(x, wr_ref[...], preferred_element_type=_f32, precision=_HI)
        + b_ref[...]
    )


def _d2(parts_ref, r1_ref, wl_ref, wr_ref, b_ref, p2_ref, r2_ref, rdeg_ref):
    ps = parts_ref[0] + parts_ref[1]
    deg = jnp.maximum(ps[:, 128:129], 1.0)
    rdeg = 1.0 / deg
    h1 = jnp.maximum(ps[:, :128] * rdeg + r1_ref[...], 0.0)
    p2_ref[...] = jnp.dot(h1, wl_ref[...], preferred_element_type=_f32,
                          precision=_HI)
    r2_ref[...] = (
        jnp.dot(h1, wr_ref[...], preferred_element_type=_f32, precision=_HI)
        + b_ref[...]
    )
    rdeg_ref[...] = rdeg


def _d3(parts_ref, r2_ref, rdeg_ref, wl_ref, wr_ref, b_ref, p3_ref, t3_ref):
    ps = parts_ref[0] + parts_ref[1]
    h2 = jnp.maximum(ps * rdeg_ref[...] + r2_ref[...], 0.0)
    s3 = jnp.dot(h2, wl_ref[...], preferred_element_type=_f32, precision=_HI)
    p3_ref[...] = jnp.broadcast_to(s3, (BLK, 16))
    t3_ref[...] = (
        jnp.dot(h2, wr_ref[...], preferred_element_type=_f32, precision=_HI)
        + b_ref[...]
    )


def _d4(parts_ref, t3_ref, rdeg_ref, out_ref):
    m = (parts_ref[0, :, 0:1] + parts_ref[1, :, 0:1]) * rdeg_ref[...] + t3_ref[...]
    out_ref[...] = m[:, 0]


def _sds(shape):
    return jax.ShapeDtypeStruct(shape, _f32)


def kernel(x, edge_index, Wl1, Wr1, b1, Wl2, Wr2, b2, Wl3, Wr3, b3):
    x_pad = jnp.pad(x, ((0, NP - N), (0, 0)))
    src = edge_index[0]
    dst = edge_index[1]
    pad_e = EP - E
    src3 = jnp.concatenate(
        [src, jnp.zeros((pad_e,), jnp.int32)]).reshape(NW, KCH, CHUNK)
    dst3 = jnp.concatenate(
        [dst, jnp.full((pad_e,), DUMMY_DST, jnp.int32)]).reshape(NW, KCH, CHUNK)

    paug, r1 = pl.pallas_call(
        _d1,
        grid=(GRID,),
        in_specs=[_rows((NP, 128)), _whole((D, 128)), _whole((D, 128)),
                  _whole((128,))],
        out_specs=(_rows((NP, 144)), _rows((NP, 128))),
        out_shape=(_sds((NP, 144)), _sds((NP, 128))),
    )(x_pad, Wl1, Wr1, b1)

    parts1 = _seg_partial_sums(paug, src3, dst3, 144)

    p2, r2, rdeg = pl.pallas_call(
        _d2,
        grid=(GRID,),
        in_specs=[_rows((2, NP, 144)), _rows((NP, 128)), _whole((128, 128)),
                  _whole((128, 128)), _whole((128,))],
        out_specs=(_rows((NP, 128)), _rows((NP, 128)), _rows((NP, 1))),
        out_shape=(_sds((NP, 128)), _sds((NP, 128)), _sds((NP, 1))),
    )(parts1, r1, Wl2, Wr2, b2)

    parts2 = _seg_partial_sums(p2, src3, dst3, 128)

    p3, t3 = pl.pallas_call(
        _d3,
        grid=(GRID,),
        in_specs=[_rows((2, NP, 128)), _rows((NP, 128)), _rows((NP, 1)),
                  _whole((128, 1)), _whole((128, 1)), _whole((1,))],
        out_specs=(_rows((NP, 16)), _rows((NP, 1))),
        out_shape=(_sds((NP, 16)), _sds((NP, 1))),
    )(parts2, r2, rdeg, Wl3, Wr3, b3)

    parts3 = _seg_partial_sums(p3, src3, dst3, 16)

    out = pl.pallas_call(
        _d4,
        grid=(GRID,),
        in_specs=[_rows((2, NP, 16)), _rows((NP, 1)), _rows((NP, 1))],
        out_specs=_rows((NP,)),
        out_shape=_sds((NP,)),
    )(parts3, t3, rdeg)

    return out[:N]

# --- scband reference (transcript-rebuilt; emitter-appended) ---
"""Pipeline reference for scband-gnn3-1614907703642 (READ-ONLY COPY).

The authoritative reference and input builder live on the scoring server;
editing this copy changes nothing except your own understanding.
"""

import jax, jax.numpy as jnp
import numpy as np

N = 10000
E = 320000
D = 128
H = 128


def setup_inputs(seed: int = 0) -> dict:
    key = jax.random.key(seed)
    ks = jax.random.split(key, 12)
    x = jax.random.normal(ks[0], (N, D), dtype=jnp.float32)
    edge_index = jax.random.randint(ks[1], (2, E), 0, N, dtype=jnp.int32)
    def w(k, fan_in, fan_out):
        return jax.random.normal(k, (fan_in, fan_out), dtype=jnp.float32) / np.sqrt(fan_in)
    Wl1 = w(ks[2], D, H)
    Wr1 = w(ks[3], D, H)
    b1 = jnp.zeros((H,), dtype=jnp.float32)
    Wl2 = w(ks[4], H, H)
    Wr2 = w(ks[5], H, H)
    b2 = jnp.zeros((H,), dtype=jnp.float32)
    Wl3 = w(ks[6], H, 1)
    Wr3 = w(ks[7], H, 1)
    b3 = jnp.zeros((1,), dtype=jnp.float32)
    return {"x": x, "edge_index": edge_index, "Wl1": Wl1, "Wr1": Wr1, "b1": b1,
            "Wl2": Wl2, "Wr2": Wr2, "b2": b2, "Wl3": Wl3, "Wr3": Wr3, "b3": b3}


def sage_conv(x, edge_index, Wl, Wr, b):
    # PyG SAGEConv (mean aggregation): out = lin_l(mean_{j in N(i)} x_j) + lin_r(x_i) + bias
    src = edge_index[0]
    dst = edge_index[1]
    msg = jnp.take(x, src, axis=0)
    agg_sum = jax.ops.segment_sum(msg, dst, num_segments=N)
    deg = jax.ops.segment_sum(jnp.ones((edge_index.shape[1],), dtype=x.dtype), dst, num_segments=N)
    agg = agg_sum / jnp.clip(deg, 1.0)[:, None]
    return agg @ Wl + x @ Wr + b


def reference(x, edge_index, Wl1, Wr1, b1, Wl2, Wr2, b2, Wl3, Wr3, b3):
    h = jax.nn.relu(sage_conv(x, edge_index, Wl1, Wr1, b1))
    h = jax.nn.relu(sage_conv(h, edge_index, Wl2, Wr2, b2))
    h = sage_conv(h, edge_index, Wl3, Wr3, b3)
    return h.mean(axis=1)

if __name__ == "__main__":
    import jax
    _d = setup_inputs()
    print(jax.jit(kernel)(*tuple(_d.values())))

</pallas_src>

<mosaic_0001>
#map = affine_map<(d0, d1) -> (0, 0)>
#map1 = affine_map<(d0, d1) -> (0, 0, 0)>
module attributes {stable_mosaic.version = 14 : i64} {
  func.func @k(%arg0: i32, %arg1: i32, %arg2: memref<10240x144xf32, #tpu.memory_space<hbm>>, %arg3: memref<32x80x128xi32, #tpu.memory_space<hbm>>, %arg4: memref<32x80x128xi32, #tpu.memory_space<hbm>>, %arg5: memref<2x10240x144xf32, #tpu.memory_space<hbm>>, %arg6: memref<80x128xi32, #tpu.memory_space<vmem>>, %arg7: memref<80x128xi32, #tpu.memory_space<vmem>>, %arg8: memref<128x144xf32, #tpu.memory_space<vmem>>, %arg9: memref<10240x144xf32, #tpu.memory_space<vmem_shared>>, %arg10: memref<!tpu.dma_semaphore, #tpu.memory_space<semaphore_mem>>) attributes {dimension_semantics = [#tpu.dimension_semantics<core_parallel>, #tpu.dimension_semantics<subcore_parallel>], iteration_bounds = array<i64: 2, 16>, scalar_prefetch = 0 : i64, scratch_operands = 5 : i64, tpu.core_type = #tpu.core_type<sc_vector_subcore>, window_params = [{transform_indices = #map}, {transform_indices = #map1}, {transform_indices = #map1}, {transform_indices = #map1}]} {
    %mul3A = arith.constant 2 : i32
    %mul3A_0 = arith.muli %arg1, %mul3A : i32
    %add3A = arith.addi %mul3A_0, %arg0 : i32
    "tpu.region"() ({
      %run_scoped3A = tpu.sem_alloc : memref<!tpu.dma_semaphore, #tpu.memory_space<semaphore_mem>>
      %dma_start3A = arith.constant 0 : i32
      %dma_start3A_54 = arith.constant 0 : i32
      %dma_start3A_55 = tpu.memref_slice %arg3[%add3A, %dma_start3A, %dma_start3A_54] : memref<32x80x128xi32, #tpu.memory_space<hbm>> -> memref<1x80x128xi32, #tpu.memory_space<hbm>>
      %dma_start3A_56 = tpu.memref_squeeze %dma_start3A_55 : memref<1x80x128xi32, #tpu.memory_space<hbm>> -> memref<80x128xi32, #tpu.memory_space<hbm>>
      %dma_start3A_57 = arith.constant 0 : i32
      %dma_start3A_58 = arith.constant 0 : i32
      %dma_start3A_59 = tpu.memref_slice %arg3[%add3A, %dma_start3A_57, %dma_start3A_58] : memref<32x80x128xi32, #tpu.memory_space<hbm>> -> memref<1x80x128xi32, #tpu.memory_space<hbm>>
      %dma_start3A_60 = tpu.memref_squeeze %dma_start3A_59 : memref<1x80x128xi32, #tpu.memory_space<hbm>> -> memref<80x128xi32, #tpu.memory_space<hbm>>
      tpu.enqueue_dma source(%dma_start3A_60 : memref<80x128xi32, #tpu.memory_space<hbm>>) target(%arg6 : memref<80x128xi32, #tpu.memory_space<vmem>>) target_semaphore(%run_scoped3A : memref<!tpu.dma_semaphore, #tpu.memory_space<semaphore_mem>>)
      %dma_wait3A = arith.constant 0 : i32
      %dma_wait3A_61 = arith.constant 0 : i32
      %dma_wait3A_62 = tpu.memref_slice %arg3[%add3A, %dma_wait3A, %dma_wait3A_61] : memref<32x80x128xi32, #tpu.memory_space<hbm>> -> memref<1x80x128xi32, #tpu.memory_space<hbm>>
      %dma_wait3A_63 = tpu.memref_squeeze %dma_wait3A_62 : memref<1x80x128xi32, #tpu.memory_space<hbm>> -> memref<80x128xi32, #tpu.memory_space<hbm>>
      %dma_wait3A_64 = arith.constant 0 : i32
      %dma_wait3A_65 = arith.constant 0 : i32
      %dma_wait3A_66 = tpu.memref_slice %arg3[%add3A, %dma_wait3A_64, %dma_wait3A_65] : memref<32x80x128xi32, #tpu.memory_space<hbm>> -> memref<1x80x128xi32, #tpu.memory_space<hbm>>
      %dma_wait3A_67 = tpu.memref_squeeze %dma_wait3A_66 : memref<1x80x128xi32, #tpu.memory_space<hbm>> -> memref<80x128xi32, #tpu.memory_space<hbm>>
      tpu.wait_dma2 semaphore(%run_scoped3A : memref<!tpu.dma_semaphore, #tpu.memory_space<semaphore_mem>>) src(%dma_wait3A_67 : memref<80x128xi32, #tpu.memory_space<hbm>>) dst(%arg6 : memref<80x128xi32, #tpu.memory_space<vmem>>)
      tpu.yield
    }) : () -> ()
    "tpu.region"() ({
      %run_scoped3A = tpu.sem_alloc : memref<!tpu.dma_semaphore, #tpu.memory_space<semaphore_mem>>
      %dma_start3A = arith.constant 0 : i32
      %dma_start3A_54 = arith.constant 0 : i32
      %dma_start3A_55 = tpu.memref_slice %arg4[%add3A, %dma_start3A, %dma_start3A_54] : memref<32x80x128xi32, #tpu.memory_space<hbm>> -> memref<1x80x128xi32, #tpu.memory_space<hbm>>
      %dma_start3A_56 = tpu.memref_squeeze %dma_start3A_55 : memref<1x80x128xi32, #tpu.memory_space<hbm>> -> memref<80x128xi32, #tpu.memory_space<hbm>>
      %dma_start3A_57 = arith.constant 0 : i32
      %dma_start3A_58 = arith.constant 0 : i32
      %dma_start3A_59 = tpu.memref_slice %arg4[%add3A, %dma_start3A_57, %dma_start3A_58] : memref<32x80x128xi32, #tpu.memory_space<hbm>> -> memref<1x80x128xi32, #tpu.memory_space<hbm>>
      %dma_start3A_60 = tpu.memref_squeeze %dma_start3A_59 : memref<1x80x128xi32, #tpu.memory_space<hbm>> -> memref<80x128xi32, #tpu.memory_space<hbm>>
      tpu.enqueue_dma source(%dma_start3A_60 : memref<80x128xi32, #tpu.memory_space<hbm>>) target(%arg7 : memref<80x128xi32, #tpu.memory_space<vmem>>) target_semaphore(%run_scoped3A : memref<!tpu.dma_semaphore, #tpu.memory_space<semaphore_mem>>)
      %dma_wait3A = arith.constant 0 : i32
      %dma_wait3A_61 = arith.constant 0 : i32
      %dma_wait3A_62 = tpu.memref_slice %arg4[%add3A, %dma_wait3A, %dma_wait3A_61] : memref<32x80x128xi32, #tpu.memory_space<hbm>> -> memref<1x80x128xi32, #tpu.memory_space<hbm>>
      %dma_wait3A_63 = tpu.memref_squeeze %dma_wait3A_62 : memref<1x80x128xi32, #tpu.memory_space<hbm>> -> memref<80x128xi32, #tpu.memory_space<hbm>>
      %dma_wait3A_64 = arith.constant 0 : i32
      %dma_wait3A_65 = arith.constant 0 : i32
      %dma_wait3A_66 = tpu.memref_slice %arg4[%add3A, %dma_wait3A_64, %dma_wait3A_65] : memref<32x80x128xi32, #tpu.memory_space<hbm>> -> memref<1x80x128xi32, #tpu.memory_space<hbm>>
      %dma_wait3A_67 = tpu.memref_squeeze %dma_wait3A_66 : memref<1x80x128xi32, #tpu.memory_space<hbm>> -> memref<80x128xi32, #tpu.memory_space<hbm>>
      tpu.wait_dma2 semaphore(%run_scoped3A : memref<!tpu.dma_semaphore, #tpu.memory_space<semaphore_mem>>) src(%dma_wait3A_67 : memref<80x128xi32, #tpu.memory_space<hbm>>) dst(%arg7 : memref<80x128xi32, #tpu.memory_space<vmem>>)
      tpu.yield
    }) : () -> ()
    %broadcast_in_dim3A = arith.constant 0.000000e+00 : f32
    %broadcast_in_dim3A_1 = vector.broadcast %broadcast_in_dim3A : f32 to vector<16xf32>
    %scan3A = arith.constant 0 : i32
    %scan3A_2 = arith.constant 0 : i32
    %scan3A_3 = arith.constant 128 : i32
    %scan3A_4 = arith.addi %scan3A_2, %scan3A_3 : i32
    %scan3A_5 = arith.constant 1 : i32
    scf.for %scan3A_54 = %scan3A_2 to %scan3A_4 step %scan3A_5  : i32 {
      %swap3A = arith.index_cast %scan3A_54 : i32 to index
      %swap3A_55 = arith.constant 0 : index
      %swap3A_56 = tpu.vector_load %arg8[%swap3A, %swap3A_55] {strides = array<i32>} : memref<128x144xf32, #tpu.memory_space<vmem>>, vector<1x16xf32>,
      %swap3A_57 = vector.shape_cast %swap3A_56 : vector<1x16xf32> to vector<16xf32>
      %swap3A_58 = vector.shape_cast %broadcast_in_dim3A_1 : vector<16xf32> to vector<1x16xf32>
      tpu.vector_store %arg8[%swap3A, %swap3A_55], %swap3A_58 {strides = array<i32>} : memref<128x144xf32, #tpu.memory_space<vmem>>, vector<1x16xf32>,
      %swap3A_59 = arith.index_cast %scan3A_54 : i32 to index
      %swap3A_60 = arith.constant 16 : index
      %swap3A_61 = tpu.vector_load %arg8[%swap3A_59, %swap3A_60] {strides = array<i32>} : memref<128x144xf32, #tpu.memory_space<vmem>>, vector<1x16xf32>,
      %swap3A_62 = vector.shape_cast %swap3A_61 : vector<1x16xf32> to vector<16xf32>
      %swap3A_63 = vector.shape_cast %broadcast_in_dim3A_1 : vector<16xf32> to vector<1x16xf32>
      tpu.vector_store %arg8[%swap3A_59, %swap3A_60], %swap3A_63 {strides = array<i32>} : memref<128x144xf32, #tpu.memory_space<vmem>>, vector<1x16xf32>,
      %swap3A_64 = arith.index_cast %scan3A_54 : i32 to index
      %swap3A_65 = arith.constant 32 : index
      %swap3A_66 = tpu.vector_load %arg8[%swap3A_64, %swap3A_65] {strides = array<i32>} : memref<128x144xf32, #tpu.memory_space<vmem>>, vector<1x16xf32>,
      %swap3A_67 = vector.shape_cast %swap3A_66 : vector<1x16xf32> to vector<16xf32>
      %swap3A_68 = vector.shape_cast %broadcast_in_dim3A_1 : vector<16xf32> to vector<1x16xf32>
      tpu.vector_store %arg8[%swap3A_64, %swap3A_65], %swap3A_68 {strides = array<i32>} : memref<128x144xf32, #tpu.memory_space<vmem>>, vector<1x16xf32>,
      %swap3A_69 = arith.index_cast %scan3A_54 : i32 to index
      %swap3A_70 = arith.constant 48 : index
      %swap3A_71 = tpu.vector_load %arg8[%swap3A_69, %swap3A_70] {strides = array<i32>} : memref<128x144xf32, #tpu.memory_space<vmem>>, vector<1x16xf32>,
      %swap3A_72 = vector.shape_cast %swap3A_71 : vector<1x16xf32> to vector<16xf32>
      %swap3A_73 = vector.shape_cast %broadcast_in_dim3A_1 : vector<16xf32> to vector<1x16xf32>
      tpu.vector_store %arg8[%swap3A_69, %swap3A_70], %swap3A_73 {strides = array<i32>} : memref<128x144xf32, #tpu.memory_space<vmem>>, vector<1x16xf32>,
      %swap3A_74 = arith.index_cast %scan3A_54 : i32 to index
      %swap3A_75 = arith.constant 64 : index
      %swap3A_76 = tpu.vector_load %arg8[%swap3A_74, %swap3A_75] {strides = array<i32>} : memref<128x144xf32, #tpu.memory_space<vmem>>, vector<1x16xf32>,
      %swap3A_77 = vector.shape_cast %swap3A_76 : vector<1x16xf32> to vector<16xf32>
      %swap3A_78 = vector.shape_cast %broadcast_in_dim3A_1 : vector<16xf32> to vector<1x16xf32>
      tpu.vector_store %arg8[%swap3A_74, %swap3A_75], %swap3A_78 {strides = array<i32>} : memref<128x144xf32, #tpu.memory_space<vmem>>, vector<1x16xf32>,
      %swap3A_79 = arith.index_cast %scan3A_54 : i32 to index
      %swap3A_80 = arith.constant 80 : index
      %swap3A_81 = tpu.vector_load %arg8[%swap3A_79, %swap3A_80] {strides = array<i32>} : memref<128x144xf32, #tpu.memory_space<vmem>>, vector<1x16xf32>,
      %swap3A_82 = vector.shape_cast %swap3A_81 : vector<1x16xf32> to vector<16xf32>
      %swap3A_83 = vector.shape_cast %broadcast_in_dim3A_1 : vector<16xf32> to vector<1x16xf32>
      tpu.vector_store %arg8[%swap3A_79, %swap3A_80], %swap3A_83 {strides = array<i32>} : memref<128x144xf32, #tpu.memory_space<vmem>>, vector<1x16xf32>,
      %swap3A_84 = arith.index_cast %scan3A_54 : i32 to index
      %swap3A_85 = arith.constant 96 : index
      %swap3A_86 = tpu.vector_load %arg8[%swap3A_84, %swap3A_85] {strides = array<i32>} : memref<128x144xf32, #tpu.memory_space<vmem>>, vector<1x16xf32>,
      %swap3A_87 = vector.shape_cast %swap3A_86 : vector<1x16xf32> to vector<16xf32>
      %swap3A_88 = vector.shape_cast %broadcast_in_dim3A_1 : vector<16xf32> to vector<1x16xf32>
      tpu.vector_store %arg8[%swap3A_84, %swap3A_85], %swap3A_88 {strides = array<i32>} : memref<128x144xf32, #tpu.memory_space<vmem>>, vector<1x16xf32>,
      %swap3A_89 = arith.index_cast %scan3A_54 : i32 to index
      %swap3A_90 = arith.constant 112 : index
      %swap3A_91 = tpu.vector_load %arg8[%swap3A_89, %swap3A_90] {strides = array<i32>} : memref<128x144xf32, #tpu.memory_space<vmem>>, vector<1x16xf32>,
      %swap3A_92 = vector.shape_cast %swap3A_91 : vector<1x16xf32> to vector<16xf32>
      %swap3A_93 = vector.shape_cast %broadcast_in_dim3A_1 : vector<16xf32> to vector<1x16xf32>
      tpu.vector_store %arg8[%swap3A_89, %swap3A_90], %swap3A_93 {strides = array<i32>} : memref<128x144xf32, #tpu.memory_space<vmem>>, vector<1x16xf32>,
      %swap3A_94 = arith.index_cast %scan3A_54 : i32 to index
      %swap3A_95 = arith.constant 128 : index
      %swap3A_96 = tpu.vector_load %arg8[%swap3A_94, %swap3A_95] {strides = array<i32>} : memref<128x144xf32, #tpu.memory_space<vmem>>, vector<1x16xf32>,
      %swap3A_97 = vector.shape_cast %swap3A_96 : vector<1x16xf32> to vector<16xf32>
      %swap3A_98 = vector.shape_cast %broadcast_in_dim3A_1 : vector<16xf32> to vector<1x16xf32>
      tpu.vector_store %arg8[%swap3A_94, %swap3A_95], %swap3A_98 {strides = array<i32>} : memref<128x144xf32, #tpu.memory_space<vmem>>, vector<1x16xf32>,
    }
    %scan3A_6 = arith.constant 128 : i32
    %mul3A_7 = arith.constant 640 : i32
    %mul3A_8 = arith.muli %arg1, %mul3A_7 : i32
    %add3A_9 = arith.constant 0 : i32
    %add3A_10 = arith.addi %mul3A_8, %add3A_9 : i32
    "tpu.region"() ({
      %run_scoped3A = tpu.sem_alloc : memref<!tpu.dma_semaphore, #tpu.memory_space<semaphore_mem>>
      %dma_start3A = arith.constant 0 : i32
      %dma_start3A_54 = tpu.memref_slice %arg9[%add3A_10, %dma_start3A] : memref<10240x144xf32, #tpu.memory_space<vmem_shared>> -> memref<128x144xf32, #tpu.memory_space<vmem_shared>>
      %dma_start3A_55 = arith.constant 0 : i32
      %dma_start3A_56 = tpu.memref_slice %arg9[%add3A_10, %dma_start3A_55] : memref<10240x144xf32, #tpu.memory_space<vmem_shared>> -> memref<128x144xf32, #tpu.memory_space<vmem_shared>>
      tpu.enqueue_dma source(%arg8 : memref<128x144xf32, #tpu.memory_space<vmem>>) target(%dma_start3A_56 : memref<128x144xf32, #tpu.memory_space<vmem_shared>>) target_semaphore(%run_scoped3A : memref<!tpu.dma_semaphore, #tpu.memory_space<semaphore_mem>>)
      %dma_wait3A = arith.constant 0 : i32
      %dma_wait3A_57 = tpu.memref_slice %arg9[%add3A_10, %dma_wait3A] : memref<10240x144xf32, #tpu.memory_space<vmem_shared>> -> memref<128x144xf32, #tpu.memory_space<vmem_shared>>
      %dma_wait3A_58 = arith.constant 0 : i32
      %dma_wait3A_59 = tpu.memref_slice %arg9[%add3A_10, %dma_wait3A_58] : memref<10240x144xf32, #tpu.memory_space<vmem_shared>> -> memref<128x144xf32, #tpu.memory_space<vmem_shared>>
      tpu.wait_dma2 semaphore(%run_scoped3A : memref<!tpu.dma_semaphore, #tpu.memory_space<semaphore_mem>>) src(%arg8 : memref<128x144xf32, #tpu.memory_space<vmem>>) dst(%dma_wait3A_59 : memref<128x144xf32, #tpu.memory_space<vmem_shared>>)
      tpu.yield
    }) : () -> ()
    %mul3A_11 = arith.constant 640 : i32
    %mul3A_12 = arith.muli %arg1, %mul3A_11 : i32
    %add3A_13 = arith.constant 128 : i32
    %add3A_14 = arith.addi %mul3A_12, %add3A_13 : i32
    "tpu.region"() ({
      %run_scoped3A = tpu.sem_alloc : memref<!tpu.dma_semaphore, #tpu.memory_space<semaphore_mem>>
      %dma_start3A = arith.constant 0 : i32
      %dma_start3A_54 = tpu.memref_slice %arg9[%add3A_14, %dma_start3A] : memref<10240x144xf32, #tpu.memory_space<vmem_shared>> -> memref<128x144xf32, #tpu.memory_space<vmem_shared>>
      %dma_start3A_55 = arith.constant 0 : i32
      %dma_start3A_56 = tpu.memref_slice %arg9[%add3A_14, %dma_start3A_55] : memref<10240x144xf32, #tpu.memory_space<vmem_shared>> -> memref<128x144xf32, #tpu.memory_space<vmem_shared>>
      tpu.enqueue_dma source(%arg8 : memref<128x144xf32, #tpu.memory_space<vmem>>) target(%dma_start3A_56 : memref<128x144xf32, #tpu.memory_space<vmem_shared>>) target_semaphore(%run_scoped3A : memref<!tpu.dma_semaphore, #tpu.memory_space<semaphore_mem>>)
      %dma_wait3A = arith.constant 0 : i32
      %dma_wait3A_57 = tpu.memref_slice %arg9[%add3A_14, %dma_wait3A] : memref<10240x144xf32, #tpu.memory_space<vmem_shared>> -> memref<128x144xf32, #tpu.memory_space<vmem_shared>>
      %dma_wait3A_58 = arith.constant 0 : i32
      %dma_wait3A_59 = tpu.memref_slice %arg9[%add3A_14, %dma_wait3A_58] : memref<10240x144xf32, #tpu.memory_space<vmem_shared>> -> memref<128x144xf32, #tpu.memory_space<vmem_shared>>
      tpu.wait_dma2 semaphore(%run_scoped3A : memref<!tpu.dma_semaphore, #tpu.memory_space<semaphore_mem>>) src(%arg8 : memref<128x144xf32, #tpu.memory_space<vmem>>) dst(%dma_wait3A_59 : memref<128x144xf32, #tpu.memory_space<vmem_shared>>)
      tpu.yield
    }) : () -> ()
    %mul3A_15 = arith.constant 640 : i32
    %mul3A_16 = arith.muli %arg1, %mul3A_15 : i32
    %add3A_17 = arith.constant 256 : i32
    %add3A_18 = arith.addi %mul3A_16, %add3A_17 : i32
    "tpu.region"() ({
      %run_scoped3A = tpu.sem_alloc : memref<!tpu.dma_semaphore, #tpu.memory_space<semaphore_mem>>
      %dma_start3A = arith.constant 0 : i32
      %dma_start3A_54 = tpu.memref_slice %arg9[%add3A_18, %dma_start3A] : memref<10240x144xf32, #tpu.memory_space<vmem_shared>> -> memref<128x144xf32, #tpu.memory_space<vmem_shared>>
      %dma_start3A_55 = arith.constant 0 : i32
      %dma_start3A_56 = tpu.memref_slice %arg9[%add3A_18, %dma_start3A_55] : memref<10240x144xf32, #tpu.memory_space<vmem_shared>> -> memref<128x144xf32, #tpu.memory_space<vmem_shared>>
      tpu.enqueue_dma source(%arg8 : memref<128x144xf32, #tpu.memory_space<vmem>>) target(%dma_start3A_56 : memref<128x144xf32, #tpu.memory_space<vmem_shared>>) target_semaphore(%run_scoped3A : memref<!tpu.dma_semaphore, #tpu.memory_space<semaphore_mem>>)
      %dma_wait3A = arith.constant 0 : i32
      %dma_wait3A_57 = tpu.memref_slice %arg9[%add3A_18, %dma_wait3A] : memref<10240x144xf32, #tpu.memory_space<vmem_shared>> -> memref<128x144xf32, #tpu.memory_space<vmem_shared>>
      %dma_wait3A_58 = arith.constant 0 : i32
      %dma_wait3A_59 = tpu.memref_slice %arg9[%add3A_18, %dma_wait3A_58] : memref<10240x144xf32, #tpu.memory_space<vmem_shared>> -> memref<128x144xf32, #tpu.memory_space<vmem_shared>>
      tpu.wait_dma2 semaphore(%run_scoped3A : memref<!tpu.dma_semaphore, #tpu.memory_space<semaphore_mem>>) src(%arg8 : memref<128x144xf32, #tpu.memory_space<vmem>>) dst(%dma_wait3A_59 : memref<128x144xf32, #tpu.memory_space<vmem_shared>>)
      tpu.yield
    }) : () -> ()
    %mul3A_19 = arith.constant 640 : i32
    %mul3A_20 = arith.muli %arg1, %mul3A_19 : i32
    %add3A_21 = arith.constant 384 : i32
    %add3A_22 = arith.addi %mul3A_20, %add3A_21 : i32
    "tpu.region"() ({
      %run_scoped3A = tpu.sem_alloc : memref<!tpu.dma_semaphore, #tpu.memory_space<semaphore_mem>>
      %dma_start3A = arith.constant 0 : i32
      %dma_start3A_54 = tpu.memref_slice %arg9[%add3A_22, %dma_start3A] : memref<10240x144xf32, #tpu.memory_space<vmem_shared>> -> memref<128x144xf32, #tpu.memory_space<vmem_shared>>
      %dma_start3A_55 = arith.constant 0 : i32
      %dma_start3A_56 = tpu.memref_slice %arg9[%add3A_22, %dma_start3A_55] : memref<10240x144xf32, #tpu.memory_space<vmem_shared>> -> memref<128x144xf32, #tpu.memory_space<vmem_shared>>
      tpu.enqueue_dma source(%arg8 : memref<128x144xf32, #tpu.memory_space<vmem>>) target(%dma_start3A_56 : memref<128x144xf32, #tpu.memory_space<vmem_shared>>) target_semaphore(%run_scoped3A : memref<!tpu.dma_semaphore, #tpu.memory_space<semaphore_mem>>)
      %dma_wait3A = arith.constant 0 : i32
      %dma_wait3A_57 = tpu.memref_slice %arg9[%add3A_22, %dma_wait3A] : memref<10240x144xf32, #tpu.memory_space<vmem_shared>> -> memref<128x144xf32, #tpu.memory_space<vmem_shared>>
      %dma_wait3A_58 = arith.constant 0 : i32
      %dma_wait3A_59 = tpu.memref_slice %arg9[%add3A_22, %dma_wait3A_58] : memref<10240x144xf32, #tpu.memory_space<vmem_shared>> -> memref<128x144xf32, #tpu.memory_space<vmem_shared>>
      tpu.wait_dma2 semaphore(%run_scoped3A : memref<!tpu.dma_semaphore, #tpu.memory_space<semaphore_mem>>) src(%arg8 : memref<128x144xf32, #tpu.memory_space<vmem>>) dst(%dma_wait3A_59 : memref<128x144xf32, #tpu.memory_space<vmem_shared>>)
      tpu.yield
    }) : () -> ()
    %mul3A_23 = arith.constant 640 : i32
    %mul3A_24 = arith.muli %arg1, %mul3A_23 : i32
    %add3A_25 = arith.constant 512 : i32
    %add3A_26 = arith.addi %mul3A_24, %add3A_25 : i32
    "tpu.region"() ({
      %run_scoped3A = tpu.sem_alloc : memref<!tpu.dma_semaphore, #tpu.memory_space<semaphore_mem>>
      %dma_start3A = arith.constant 0 : i32
      %dma_start3A_54 = tpu.memref_slice %arg9[%add3A_26, %dma_start3A] : memref<10240x144xf32, #tpu.memory_space<vmem_shared>> -> memref<128x144xf32, #tpu.memory_space<vmem_shared>>
      %dma_start3A_55 = arith.constant 0 : i32
      %dma_start3A_56 = tpu.memref_slice %arg9[%add3A_26, %dma_start3A_55] : memref<10240x144xf32, #tpu.memory_space<vmem_shared>> -> memref<128x144xf32, #tpu.memory_space<vmem_shared>>
      tpu.enqueue_dma source(%arg8 : memref<128x144xf32, #tpu.memory_space<vmem>>) target(%dma_start3A_56 : memref<128x144xf32, #tpu.memory_space<vmem_shared>>) target_semaphore(%run_scoped3A : memref<!tpu.dma_semaphore, #tpu.memory_space<semaphore_mem>>)
      %dma_wait3A = arith.constant 0 : i32
      %dma_wait3A_57 = tpu.memref_slice %arg9[%add3A_26, %dma_wait3A] : memref<10240x144xf32, #tpu.memory_space<vmem_shared>> -> memref<128x144xf32, #tpu.memory_space<vmem_shared>>
      %dma_wait3A_58 = arith.constant 0 : i32
      %dma_wait3A_59 = tpu.memref_slice %arg9[%add3A_26, %dma_wait3A_58] : memref<10240x144xf32, #tpu.memory_space<vmem_shared>> -> memref<128x144xf32, #tpu.memory_space<vmem_shared>>
      tpu.wait_dma2 semaphore(%run_scoped3A : memref<!tpu.dma_semaphore, #tpu.memory_space<semaphore_mem>>) src(%arg8 : memref<128x144xf32, #tpu.memory_space<vmem>>) dst(%dma_wait3A_59 : memref<128x144xf32, #tpu.memory_space<vmem_shared>>)
      tpu.yield
    }) : () -> ()
    %barrier3A = arith.constant 0 : index
    tpu.barrier barrier_id(%barrier3A)
    %scan3A_27 = arith.constant 0 : i32
    %scan3A_28 = arith.constant 0 : i32
    %scan3A_29 = arith.constant 80 : i32
    %scan3A_30 = arith.addi %scan3A_28, %scan3A_29 : i32
    %scan3A_31 = arith.constant 1 : i32
    scf.for %scan3A_54 = %scan3A_28 to %scan3A_30 step %scan3A_31  : i32 {
      %dma_start3A = arith.constant 0 : i32
      %dma_start3A_55 = tpu.memref_slice %arg6[%scan3A_54, %dma_start3A] : memref<80x128xi32, #tpu.memory_space<vmem>> -> memref<1x128xi32, #tpu.memory_space<vmem>>
      %dma_start3A_56 = tpu.memref_squeeze %dma_start3A_55 : memref<1x128xi32, #tpu.memory_space<vmem>> -> memref<128xi32, #tpu.memory_space<vmem>>
      %dma_start3A_57 = arith.constant 0 : i32
      %dma_start3A_58 = arith.constant 0 : i32
      %dma_start3A_59 = tpu.memref_slice %arg2[%dma_start3A_57, %dma_start3A_58] : memref<10240x144xf32, #tpu.memory_space<hbm>> -> memref<10240x144xf32, #tpu.memory_space<hbm>>
      tpu.enqueue_indirect_dma source(%dma_start3A_59 : memref<10240x144xf32, #tpu.memory_space<hbm>>) target(%arg8 : memref<128x144xf32, #tpu.memory_space<vmem>>) offsets(%dma_start3A_56 : memref<128xi32, #tpu.memory_space<vmem>>) semaphore(%arg10 : memref<!tpu.dma_semaphore, #tpu.memory_space<semaphore_mem>>)
      %dma_wait3A = arith.constant 0 : i32
      %dma_wait3A_60 = tpu.memref_slice %arg6[%scan3A_54, %dma_wait3A] : memref<80x128xi32, #tpu.memory_space<vmem>> -> memref<1x128xi32, #tpu.memory_space<vmem>>
      %dma_wait3A_61 = tpu.memref_squeeze %dma_wait3A_60 : memref<1x128xi32, #tpu.memory_space<vmem>> -> memref<128xi32, #tpu.memory_space<vmem>>
      %dma_wait3A_62 = arith.constant 0 : i32
      %dma_wait3A_63 = arith.constant 0 : i32
      %dma_wait3A_64 = tpu.memref_slice %arg2[%dma_wait3A_62, %dma_wait3A_63] : memref<10240x144xf32, #tpu.memory_space<hbm>> -> memref<10240x144xf32, #tpu.memory_space<hbm>>
      tpu.wait_indirect_dma semaphore(%arg10 : memref<!tpu.dma_semaphore, #tpu.memory_space<semaphore_mem>>) src(%dma_wait3A_64 : memref<10240x144xf32, #tpu.memory_space<hbm>>) dst(%arg8 : memref<128x144xf32, #tpu.memory_space<vmem>>)
      "tpu.region"() ({
        %run_scoped3A = tpu.sem_alloc : memref<!tpu.dma_semaphore, #tpu.memory_space<semaphore_mem>>
        %dma_start3A_65 = arith.constant 0 : i32
        %dma_start3A_66 = tpu.memref_slice %arg7[%scan3A_54, %dma_start3A_65] : memref<80x128xi32, #tpu.memory_space<vmem>> -> memref<1x128xi32, #tpu.memory_space<vmem>>
        %dma_start3A_67 = tpu.memref_squeeze %dma_start3A_66 : memref<1x128xi32, #tpu.memory_space<vmem>> -> memref<128xi32, #tpu.memory_space<vmem>>
        %dma_start3A_68 = arith.constant 0 : i32
        %dma_start3A_69 = arith.constant 0 : i32
        %dma_start3A_70 = tpu.memref_slice %arg9[%dma_start3A_68, %dma_start3A_69] : memref<10240x144xf32, #tpu.memory_space<vmem_shared>> -> memref<10240x144xf32, #tpu.memory_space<vmem_shared>>
        tpu.enqueue_indirect_dma source(%arg8 : memref<128x144xf32, #tpu.memory_space<vmem>>) target(%dma_start3A_70 : memref<10240x144xf32, #tpu.memory_space<vmem_shared>>) offsets(%dma_start3A_67 : memref<128xi32, #tpu.memory_space<vmem>>) semaphore(%run_scoped3A : memref<!tpu.dma_semaphore, #tpu.memory_space<semaphore_mem>>) {add = true}
        %dma_wait3A_71 = arith.constant 0 : i32
        %dma_wait3A_72 = tpu.memref_slice %arg7[%scan3A_54, %dma_wait3A_71] : memref<80x128xi32, #tpu.memory_space<vmem>> -> memref<1x128xi32, #tpu.memory_space<vmem>>
        %dma_wait3A_73 = tpu.memref_squeeze %dma_wait3A_72 : memref<1x128xi32, #tpu.memory_space<vmem>> -> memref<128xi32, #tpu.memory_space<vmem>>
        %dma_wait3A_74 = arith.constant 0 : i32
        %dma_wait3A_75 = arith.constant 0 : i32
        %dma_wait3A_76 = tpu.memref_slice %arg9[%dma_wait3A_74, %dma_wait3A_75] : memref<10240x144xf32, #tpu.memory_space<vmem_shared>> -> memref<10240x144xf32, #tpu.memory_space<vmem_shared>>
        tpu.wait_indirect_dma semaphore(%run_scoped3A : memref<!tpu.dma_semaphore, #tpu.memory_space<semaphore_mem>>) src(%arg8 : memref<128x144xf32, #tpu.memory_space<vmem>>) dst(%dma_wait3A_76 : memref<10240x144xf32, #tpu.memory_space<vmem_shared>>)
        tpu.yield
      }) : () -> ()
    }
    %scan3A_32 = arith.constant 80 : i32
    %barrier3A_33 = arith.constant 0 : index
    tpu.barrier barrier_id(%barrier3A_33)
    %mul3A_34 = arith.constant 640 : i32
    %mul3A_35 = arith.muli %arg1, %mul3A_34 : i32
    %add3A_36 = arith.constant 0 : i32
    %add3A_37 = arith.addi %mul3A_35, %add3A_36 : i32
    "tpu.region"() ({
      %run_scoped3A = tpu.sem_alloc : memref<!tpu.dma_semaphore, #tpu.memory_space<semaphore_mem>>
      %dma_start3A = arith.constant 0 : i32
      %dma_start3A_54 = tpu.memref_slice %arg5[%arg0, %add3A_37, %dma_start3A] : memref<2x10240x144xf32, #tpu.memory_space<hbm>> -> memref<1x128x144xf32, #tpu.memory_space<hbm>>
      %dma_start3A_55 = tpu.memref_squeeze %dma_start3A_54 : memref<1x128x144xf32, #tpu.memory_space<hbm>> -> memref<128x144xf32, #tpu.memory_space<hbm>>
      %dma_start3A_56 = arith.constant 0 : i32
      %dma_start3A_57 = tpu.memref_slice %arg9[%add3A_37, %dma_start3A_56] : memref<10240x144xf32, #tpu.memory_space<vmem_shared>> -> memref<128x144xf32, #tpu.memory_space<vmem_shared>>
      tpu.enqueue_dma source(%dma_start3A_57 : memref<128x144xf32, #tpu.memory_space<vmem_shared>>) target(%dma_start3A_55 : memref<128x144xf32, #tpu.memory_space<hbm>>) target_semaphore(%run_scoped3A : memref<!tpu.dma_semaphore, #tpu.memory_space<semaphore_mem>>)
      %dma_wait3A = arith.constant 0 : i32
      %dma_wait3A_58 = tpu.memref_slice %arg5[%arg0, %add3A_37, %dma_wait3A] : memref<2x10240x144xf32, #tpu.memory_space<hbm>> -> memref<1x128x144xf32, #tpu.memory_space<hbm>>
      %dma_wait3A_59 = tpu.memref_squeeze %dma_wait3A_58 : memref<1x128x144xf32, #tpu.memory_space<hbm>> -> memref<128x144xf32, #tpu.memory_space<hbm>>
      %dma_wait3A_60 = arith.constant 0 : i32
      %dma_wait3A_61 = tpu.memref_slice %arg9[%add3A_37, %dma_wait3A_60] : memref<10240x144xf32, #tpu.memory_space<vmem_shared>> -> memref<128x144xf32, #tpu.memory_space<vmem_shared>>
      tpu.wait_dma2 semaphore(%run_scoped3A : memref<!tpu.dma_semaphore, #tpu.memory_space<semaphore_mem>>) src(%dma_wait3A_61 : memref<128x144xf32, #tpu.memory_space<vmem_shared>>) dst(%dma_wait3A_59 : memref<128x144xf32, #tpu.memory_space<hbm>>)
      tpu.yield
    }) : () -> ()
    %mul3A_38 = arith.constant 640 : i32
    %mul3A_39 = arith.muli %arg1, %mul3A_38 : i32
    %add3A_40 = arith.constant 128 : i32
    %add3A_41 = arith.addi %mul3A_39, %add3A_40 : i32
    "tpu.region"() ({
      %run_scoped3A = tpu.sem_alloc : memref<!tpu.dma_semaphore, #tpu.memory_space<semaphore_mem>>
      %dma_start3A = arith.constant 0 : i32
      %dma_start3A_54 = tpu.memref_slice %arg5[%arg0, %add3A_41, %dma_start3A] : memref<2x10240x144xf32, #tpu.memory_space<hbm>> -> memref<1x128x144xf32, #tpu.memory_space<hbm>>
      %dma_start3A_55 = tpu.memref_squeeze %dma_start3A_54 : memref<1x128x144xf32, #tpu.memory_space<hbm>> -> memref<128x144xf32, #tpu.memory_space<hbm>>
      %dma_start3A_56 = arith.constant 0 : i32
      %dma_start3A_57 = tpu.memref_slice %arg9[%add3A_41, %dma_start3A_56] : memref<10240x144xf32, #tpu.memory_space<vmem_shared>> -> memref<128x144xf32, #tpu.memory_space<vmem_shared>>
      tpu.enqueue_dma source(%dma_start3A_57 : memref<128x144xf32, #tpu.memory_space<vmem_shared>>) target(%dma_start3A_55 : memref<128x144xf32, #tpu.memory_space<hbm>>) target_semaphore(%run_scoped3A : memref<!tpu.dma_semaphore, #tpu.memory_space<semaphore_mem>>)
      %dma_wait3A = arith.constant 0 : i32
      %dma_wait3A_58 = tpu.memref_slice %arg5[%arg0, %add3A_41, %dma_wait3A] : memref<2x10240x144xf32, #tpu.memory_space<hbm>> -> memref<1x128x144xf32, #tpu.memory_space<hbm>>
      %dma_wait3A_59 = tpu.memref_squeeze %dma_wait3A_58 : memref<1x128x144xf32, #tpu.memory_space<hbm>> -> memref<128x144xf32, #tpu.memory_space<hbm>>
      %dma_wait3A_60 = arith.constant 0 : i32
      %dma_wait3A_61 = tpu.memref_slice %arg9[%add3A_41, %dma_wait3A_60] : memref<10240x144xf32, #tpu.memory_space<vmem_shared>> -> memref<128x144xf32, #tpu.memory_space<vmem_shared>>
      tpu.wait_dma2 semaphore(%run_scoped3A : memref<!tpu.dma_semaphore, #tpu.memory_space<semaphore_mem>>) src(%dma_wait3A_61 : memref<128x144xf32, #tpu.memory_space<vmem_shared>>) dst(%dma_wait3A_59 : memref<128x144xf32, #tpu.memory_space<hbm>>)
      tpu.yield
    }) : () -> ()
    %mul3A_42 = arith.constant 640 : i32
    %mul3A_43 = arith.muli %arg1, %mul3A_42 : i32
    %add3A_44 = arith.constant 256 : i32
    %add3A_45 = arith.addi %mul3A_43, %add3A_44 : i32
    "tpu.region"() ({
      %run_scoped3A = tpu.sem_alloc : memref<!tpu.dma_semaphore, #tpu.memory_space<semaphore_mem>>
      %dma_start3A = arith.constant 0 : i32
      %dma_start3A_54 = tpu.memref_slice %arg5[%arg0, %add3A_45, %dma_start3A] : memref<2x10240x144xf32, #tpu.memory_space<hbm>> -> memref<1x128x144xf32, #tpu.memory_space<hbm>>
      %dma_start3A_55 = tpu.memref_squeeze %dma_start3A_54 : memref<1x128x144xf32, #tpu.memory_space<hbm>> -> memref<128x144xf32, #tpu.memory_space<hbm>>
      %dma_start3A_56 = arith.constant 0 : i32
      %dma_start3A_57 = tpu.memref_slice %arg9[%add3A_45, %dma_start3A_56] : memref<10240x144xf32, #tpu.memory_space<vmem_shared>> -> memref<128x144xf32, #tpu.memory_space<vmem_shared>>
      tpu.enqueue_dma source(%dma_start3A_57 : memref<128x144xf32, #tpu.memory_space<vmem_shared>>) target(%dma_start3A_55 : memref<128x144xf32, #tpu.memory_space<hbm>>) target_semaphore(%run_scoped3A : memref<!tpu.dma_semaphore, #tpu.memory_space<semaphore_mem>>)
      %dma_wait3A = arith.constant 0 : i32
      %dma_wait3A_58 = tpu.memref_slice %arg5[%arg0, %add3A_45, %dma_wait3A] : memref<2x10240x144xf32, #tpu.memory_space<hbm>> -> memref<1x128x144xf32, #tpu.memory_space<hbm>>
      %dma_wait3A_59 = tpu.memref_squeeze %dma_wait3A_58 : memref<1x128x144xf32, #tpu.memory_space<hbm>> -> memref<128x144xf32, #tpu.memory_space<hbm>>
      %dma_wait3A_60 = arith.constant 0 : i32
      %dma_wait3A_61 = tpu.memref_slice %arg9[%add3A_45, %dma_wait3A_60] : memref<10240x144xf32, #tpu.memory_space<vmem_shared>> -> memref<128x144xf32, #tpu.memory_space<vmem_shared>>
      tpu.wait_dma2 semaphore(%run_scoped3A : memref<!tpu.dma_semaphore, #tpu.memory_space<semaphore_mem>>) src(%dma_wait3A_61 : memref<128x144xf32, #tpu.memory_space<vmem_shared>>) dst(%dma_wait3A_59 : memref<128x144xf32, #tpu.memory_space<hbm>>)
      tpu.yield
    }) : () -> ()
    %mul3A_46 = arith.constant 640 : i32
    %mul3A_47 = arith.muli %arg1, %mul3A_46 : i32
    %add3A_48 = arith.constant 384 : i32
    %add3A_49 = arith.addi %mul3A_47, %add3A_48 : i32
    "tpu.region"() ({
      %run_scoped3A = tpu.sem_alloc : memref<!tpu.dma_semaphore, #tpu.memory_space<semaphore_mem>>
      %dma_start3A = arith.constant 0 : i32
      %dma_start3A_54 = tpu.memref_slice %arg5[%arg0, %add3A_49, %dma_start3A] : memref<2x10240x144xf32, #tpu.memory_space<hbm>> -> memref<1x128x144xf32, #tpu.memory_space<hbm>>
      %dma_start3A_55 = tpu.memref_squeeze %dma_start3A_54 : memref<1x128x144xf32, #tpu.memory_space<hbm>> -> memref<128x144xf32, #tpu.memory_space<hbm>>
      %dma_start3A_56 = arith.constant 0 : i32
      %dma_start3A_57 = tpu.memref_slice %arg9[%add3A_49, %dma_start3A_56] : memref<10240x144xf32, #tpu.memory_space<vmem_shared>> -> memref<128x144xf32, #tpu.memory_space<vmem_shared>>
      tpu.enqueue_dma source(%dma_start3A_57 : memref<128x144xf32, #tpu.memory_space<vmem_shared>>) target(%dma_start3A_55 : memref<128x144xf32, #tpu.memory_space<hbm>>) target_semaphore(%run_scoped3A : memref<!tpu.dma_semaphore, #tpu.memory_space<semaphore_mem>>)
      %dma_wait3A = arith.constant 0 : i32
      %dma_wait3A_58 = tpu.memref_slice %arg5[%arg0, %add3A_49, %dma_wait3A] : memref<2x10240x144xf32, #tpu.memory_space<hbm>> -> memref<1x128x144xf32, #tpu.memory_space<hbm>>
      %dma_wait3A_59 = tpu.memref_squeeze %dma_wait3A_58 : memref<1x128x144xf32, #tpu.memory_space<hbm>> -> memref<128x144xf32, #tpu.memory_space<hbm>>
      %dma_wait3A_60 = arith.constant 0 : i32
      %dma_wait3A_61 = tpu.memref_slice %arg9[%add3A_49, %dma_wait3A_60] : memref<10240x144xf32, #tpu.memory_space<vmem_shared>> -> memref<128x144xf32, #tpu.memory_space<vmem_shared>>
      tpu.wait_dma2 semaphore(%run_scoped3A : memref<!tpu.dma_semaphore, #tpu.memory_space<semaphore_mem>>) src(%dma_wait3A_61 : memref<128x144xf32, #tpu.memory_space<vmem_shared>>) dst(%dma_wait3A_59 : memref<128x144xf32, #tpu.memory_space<hbm>>)
      tpu.yield
    }) : () -> ()
    %mul3A_50 = arith.constant 640 : i32
    %mul3A_51 = arith.muli %arg1, %mul3A_50 : i32
    %add3A_52 = arith.constant 512 : i32
    %add3A_53 = arith.addi %mul3A_51, %add3A_52 : i32
    "tpu.region"() ({
      %run_scoped3A = tpu.sem_alloc : memref<!tpu.dma_semaphore, #tpu.memory_space<semaphore_mem>>
      %dma_start3A = arith.constant 0 : i32
      %dma_start3A_54 = tpu.memref_slice %arg5[%arg0, %add3A_53, %dma_start3A] : memref<2x10240x144xf32, #tpu.memory_space<hbm>> -> memref<1x128x144xf32, #tpu.memory_space<hbm>>
      %dma_start3A_55 = tpu.memref_squeeze %dma_start3A_54 : memref<1x128x144xf32, #tpu.memory_space<hbm>> -> memref<128x144xf32, #tpu.memory_space<hbm>>
      %dma_start3A_56 = arith.constant 0 : i32
      %dma_start3A_57 = tpu.memref_slice %arg9[%add3A_53, %dma_start3A_56] : memref<10240x144xf32, #tpu.memory_space<vmem_shared>> -> memref<128x144xf32, #tpu.memory_space<vmem_shared>>
      tpu.enqueue_dma source(%dma_start3A_57 : memref<128x144xf32, #tpu.memory_space<vmem_shared>>) target(%dma_start3A_55 : memref<128x144xf32, #tpu.memory_space<hbm>>) target_semaphore(%run_scoped3A : memref<!tpu.dma_semaphore, #tpu.memory_space<semaphore_mem>>)
      %dma_wait3A = arith.constant 0 : i32
      %dma_wait3A_58 = tpu.memref_slice %arg5[%arg0, %add3A_53, %dma_wait3A] : memref<2x10240x144xf32, #tpu.memory_space<hbm>> -> memref<1x128x144xf32, #tpu.memory_space<hbm>>
      %dma_wait3A_59 = tpu.memref_squeeze %dma_wait3A_58 : memref<1x128x144xf32, #tpu.memory_space<hbm>> -> memref<128x144xf32, #tpu.memory_space<hbm>>
      %dma_wait3A_60 = arith.constant 0 : i32
      %dma_wait3A_61 = tpu.memref_slice %arg9[%add3A_53, %dma_wait3A_60] : memref<10240x144xf32, #tpu.memory_space<vmem_shared>> -> memref<128x144xf32, #tpu.memory_space<vmem_shared>>
      tpu.wait_dma2 semaphore(%run_scoped3A : memref<!tpu.dma_semaphore, #tpu.memory_space<semaphore_mem>>) src(%dma_wait3A_61 : memref<128x144xf32, #tpu.memory_space<vmem_shared>>) dst(%dma_wait3A_59 : memref<128x144xf32, #tpu.memory_space<hbm>>)
      tpu.yield
    }) : () -> ()
    return
  }
}

#map = affine_map<(d0, d1) -> (0, 0)>
#map1 = affine_map<(d0, d1) -> (0, 0, 0)>
module attributes {stable_mosaic.version = 14 : i64} {
  func.func @k(%arg0: i32, %arg1: i32, %arg2: memref<10240x128xf32, #tpu.memory_space<hbm>>, %arg3: memref<32x80x128xi32, #tpu.memory_space<hbm>>, %arg4: memref<32x80x128xi32, #tpu.memory_space<hbm>>, %arg5: memref<2x10240x128xf32, #tpu.memory_space<hbm>>, %arg6: memref<80x128xi32, #tpu.memory_space<vmem>>, %arg7: memref<80x128xi32, #tpu.memory_space<vmem>>, %arg8: memref<128x128xf32, #tpu.memory_space<vmem>>, %arg9: memref<10240x128xf32, #tpu.memory_space<vmem_shared>>, %arg10: memref<!tpu.dma_semaphore, #tpu.memory_space<semaphore_mem>>) attributes {dimension_semantics = [#tpu.dimension_semantics<core_parallel>, #tpu.dimension_semantics<subcore_parallel>], iteration_bounds = array<i64: 2, 16>, scalar_prefetch = 0 : i64, scratch_operands = 5 : i64, tpu.core_type = #tpu.core_type<sc_vector_subcore>, window_params = [{transform_indices = #map}, {transform_indices = #map1}, {transform_indices = #map1}, {transform_indices = #map1}]} {
    %mul3A = arith.constant 2 : i32
    %mul3A_0 = arith.muli %arg1, %mul3A : i32
    %add3A = arith.addi %mul3A_0, %arg0 : i32
    "tpu.region"() ({
      %run_scoped3A = tpu.sem_alloc : memref<!tpu.dma_semaphore, #tpu.memory_space<semaphore_mem>>
      %dma_start3A = arith.constant 0 : i32
      %dma_start3A_54 = arith.constant 0 : i32
      %dma_start3A_55 = tpu.memref_slice %arg3[%add3A, %dma_start3A, %dma_start3A_54] : memref<32x80x128xi32, #tpu.memory_space<hbm>> -> memref<1x80x128xi32, #tpu.memory_space<hbm>>
      %dma_start3A_56 = tpu.memref_squeeze %dma_start3A_55 : memref<1x80x128xi32, #tpu.memory_space<hbm>> -> memref<80x128xi32, #tpu.memory_space<hbm>>
      %dma_start3A_57 = arith.constant 0 : i32
      %dma_start3A_58 = arith.constant 0 : i32
      %dma_start3A_59 = tpu.memref_slice %arg3[%add3A, %dma_start3A_57, %dma_start3A_58] : memref<32x80x128xi32, #tpu.memory_space<hbm>> -> memref<1x80x128xi32, #tpu.memory_space<hbm>>
      %dma_start3A_60 = tpu.memref_squeeze %dma_start3A_59 : memref<1x80x128xi32, #tpu.memory_space<hbm>> -> memref<80x128xi32, #tpu.memory_space<hbm>>
      tpu.enqueue_dma source(%dma_start3A_60 : memref<80x128xi32, #tpu.memory_space<hbm>>) target(%arg6 : memref<80x128xi32, #tpu.memory_space<vmem>>) target_semaphore(%run_scoped3A : memref<!tpu.dma_semaphore, #tpu.memory_space<semaphore_mem>>)
      %dma_wait3A = arith.constant 0 : i32
      %dma_wait3A_61 = arith.constant 0 : i32
      %dma_wait3A_62 = tpu.memref_slice %arg3[%add3A, %dma_wait3A, %dma_wait3A_61] : memref<32x80x128xi32, #tpu.memory_space<hbm>> -> memref<1x80x128xi32, #tpu.memory_space<hbm>>
      %dma_wait3A_63 = tpu.memref_squeeze %dma_wait3A_62 : memref<1x80x128xi32, #tpu.memory_space<hbm>> -> memref<80x128xi32, #tpu.memory_space<hbm>>
      %dma_wait3A_64 = arith.constant 0 : i32
      %dma_wait3A_65 = arith.constant 0 : i32
      %dma_wait3A_66 = tpu.memref_slice %arg3[%add3A, %dma_wait3A_64, %dma_wait3A_65] : memref<32x80x128xi32, #tpu.memory_space<hbm>> -> memref<1x80x128xi32, #tpu.memory_space<hbm>>
      %dma_wait3A_67 = tpu.memref_squeeze %dma_wait3A_66 : memref<1x80x128xi32, #tpu.memory_space<hbm>> -> memref<80x128xi32, #tpu.memory_space<hbm>>
      tpu.wait_dma2 semaphore(%run_scoped3A : memref<!tpu.dma_semaphore, #tpu.memory_space<semaphore_mem>>) src(%dma_wait3A_67 : memref<80x128xi32, #tpu.memory_space<hbm>>) dst(%arg6 : memref<80x128xi32, #tpu.memory_space<vmem>>)
      tpu.yield
    }) : () -> ()
    "tpu.region"() ({
      %run_scoped3A = tpu.sem_alloc : memref<!tpu.dma_semaphore, #tpu.memory_space<semaphore_mem>>
      %dma_start3A = arith.constant 0 : i32
      %dma_start3A_54 = arith.constant 0 : i32
      %dma_start3A_55 = tpu.memref_slice %arg4[%add3A, %dma_start3A, %dma_start3A_54] : memref<32x80x128xi32, #tpu.memory_space<hbm>> -> memref<1x80x128xi32, #tpu.memory_space<hbm>>
      %dma_start3A_56 = tpu.memref_squeeze %dma_start3A_55 : memref<1x80x128xi32, #tpu.memory_space<hbm>> -> memref<80x128xi32, #tpu.memory_space<hbm>>
      %dma_start3A_57 = arith.constant 0 : i32
      %dma_start3A_58 = arith.constant 0 : i32
      %dma_start3A_59 = tpu.memref_slice %arg4[%add3A, %dma_start3A_57, %dma_start3A_58] : memref<32x80x128xi32, #tpu.memory_space<hbm>> -> memref<1x80x128xi32, #tpu.memory_space<hbm>>
      %dma_start3A_60 = tpu.memref_squeeze %dma_start3A_59 : memref<1x80x128xi32, #tpu.memory_space<hbm>> -> memref<80x128xi32, #tpu.memory_space<hbm>>
      tpu.enqueue_dma source(%dma_start3A_60 : memref<80x128xi32, #tpu.memory_space<hbm>>) target(%arg7 : memref<80x128xi32, #tpu.memory_space<vmem>>) target_semaphore(%run_scoped3A : memref<!tpu.dma_semaphore, #tpu.memory_space<semaphore_mem>>)
      %dma_wait3A = arith.constant 0 : i32
      %dma_wait3A_61 = arith.constant 0 : i32
      %dma_wait3A_62 = tpu.memref_slice %arg4[%add3A, %dma_wait3A, %dma_wait3A_61] : memref<32x80x128xi32, #tpu.memory_space<hbm>> -> memref<1x80x128xi32, #tpu.memory_space<hbm>>
      %dma_wait3A_63 = tpu.memref_squeeze %dma_wait3A_62 : memref<1x80x128xi32, #tpu.memory_space<hbm>> -> memref<80x128xi32, #tpu.memory_space<hbm>>
      %dma_wait3A_64 = arith.constant 0 : i32
      %dma_wait3A_65 = arith.constant 0 : i32
      %dma_wait3A_66 = tpu.memref_slice %arg4[%add3A, %dma_wait3A_64, %dma_wait3A_65] : memref<32x80x128xi32, #tpu.memory_space<hbm>> -> memref<1x80x128xi32, #tpu.memory_space<hbm>>
      %dma_wait3A_67 = tpu.memref_squeeze %dma_wait3A_66 : memref<1x80x128xi32, #tpu.memory_space<hbm>> -> memref<80x128xi32, #tpu.memory_space<hbm>>
      tpu.wait_dma2 semaphore(%run_scoped3A : memref<!tpu.dma_semaphore, #tpu.memory_space<semaphore_mem>>) src(%dma_wait3A_67 : memref<80x128xi32, #tpu.memory_space<hbm>>) dst(%arg7 : memref<80x128xi32, #tpu.memory_space<vmem>>)
      tpu.yield
    }) : () -> ()
    %broadcast_in_dim3A = arith.constant 0.000000e+00 : f32
    %broadcast_in_dim3A_1 = vector.broadcast %broadcast_in_dim3A : f32 to vector<16xf32>
    %scan3A = arith.constant 0 : i32
    %scan3A_2 = arith.constant 0 : i32
    %scan3A_3 = arith.constant 128 : i32
    %scan3A_4 = arith.addi %scan3A_2, %scan3A_3 : i32
    %scan3A_5 = arith.constant 1 : i32
    scf.for %scan3A_54 = %scan3A_2 to %scan3A_4 step %scan3A_5  : i32 {
      %swap3A = arith.index_cast %scan3A_54 : i32 to index
      %swap3A_55 = arith.constant 0 : index
      %swap3A_56 = tpu.vector_load %arg8[%swap3A, %swap3A_55] {strides = array<i32>} : memref<128x128xf32, #tpu.memory_space<vmem>>, vector<1x16xf32>,
      %swap3A_57 = vector.shape_cast %swap3A_56 : vector<1x16xf32> to vector<16xf32>
      %swap3A_58 = vector.shape_cast %broadcast_in_dim3A_1 : vector<16xf32> to vector<1x16xf32>
      tpu.vector_store %arg8[%swap3A, %swap3A_55], %swap3A_58 {strides = array<i32>} : memref<128x128xf32, #tpu.memory_space<vmem>>, vector<1x16xf32>,
      %swap3A_59 = arith.index_cast %scan3A_54 : i32 to index
      %swap3A_60 = arith.constant 16 : index
      %swap3A_61 = tpu.vector_load %arg8[%swap3A_59, %swap3A_60] {strides = array<i32>} : memref<128x128xf32, #tpu.memory_space<vmem>>, vector<1x16xf32>,
      %swap3A_62 = vector.shape_cast %swap3A_61 : vector<1x16xf32> to vector<16xf32>
      %swap3A_63 = vector.shape_cast %broadcast_in_dim3A_1 : vector<16xf32> to vector<1x16xf32>
      tpu.vector_store %arg8[%swap3A_59, %swap3A_60], %swap3A_63 {strides = array<i32>} : memref<128x128xf32, #tpu.memory_space<vmem>>, vector<1x16xf32>,
      %swap3A_64 = arith.index_cast %scan3A_54 : i32 to index
      %swap3A_65 = arith.constant 32 : index
      %swap3A_66 = tpu.vector_load %arg8[%swap3A_64, %swap3A_65] {strides = array<i32>} : memref<128x128xf32, #tpu.memory_space<vmem>>, vector<1x16xf32>,
      %swap3A_67 = vector.shape_cast %swap3A_66 : vector<1x16xf32> to vector<16xf32>
      %swap3A_68 = vector.shape_cast %broadcast_in_dim3A_1 : vector<16xf32> to vector<1x16xf32>
      tpu.vector_store %arg8[%swap3A_64, %swap3A_65], %swap3A_68 {strides = array<i32>} : memref<128x128xf32, #tpu.memory_space<vmem>>, vector<1x16xf32>,
      %swap3A_69 = arith.index_cast %scan3A_54 : i32 to index
      %swap3A_70 = arith.constant 48 : index
      %swap3A_71 = tpu.vector_load %arg8[%swap3A_69, %swap3A_70] {strides = array<i32>} : memref<128x128xf32, #tpu.memory_space<vmem>>, vector<1x16xf32>,
      %swap3A_72 = vector.shape_cast %swap3A_71 : vector<1x16xf32> to vector<16xf32>
      %swap3A_73 = vector.shape_cast %broadcast_in_dim3A_1 : vector<16xf32> to vector<1x16xf32>
      tpu.vector_store %arg8[%swap3A_69, %swap3A_70], %swap3A_73 {strides = array<i32>} : memref<128x128xf32, #tpu.memory_space<vmem>>, vector<1x16xf32>,
      %swap3A_74 = arith.index_cast %scan3A_54 : i32 to index
      %swap3A_75 = arith.constant 64 : index
      %swap3A_76 = tpu.vector_load %arg8[%swap3A_74, %swap3A_75] {strides = array<i32>} : memref<128x128xf32, #tpu.memory_space<vmem>>, vector<1x16xf32>,
      %swap3A_77 = vector.shape_cast %swap3A_76 : vector<1x16xf32> to vector<16xf32>
      %swap3A_78 = vector.shape_cast %broadcast_in_dim3A_1 : vector<16xf32> to vector<1x16xf32>
      tpu.vector_store %arg8[%swap3A_74, %swap3A_75], %swap3A_78 {strides = array<i32>} : memref<128x128xf32, #tpu.memory_space<vmem>>, vector<1x16xf32>,
      %swap3A_79 = arith.index_cast %scan3A_54 : i32 to index
      %swap3A_80 = arith.constant 80 : index
      %swap3A_81 = tpu.vector_load %arg8[%swap3A_79, %swap3A_80] {strides = array<i32>} : memref<128x128xf32, #tpu.memory_space<vmem>>, vector<1x16xf32>,
      %swap3A_82 = vector.shape_cast %swap3A_81 : vector<1x16xf32> to vector<16xf32>
      %swap3A_83 = vector.shape_cast %broadcast_in_dim3A_1 : vector<16xf32> to vector<1x16xf32>
      tpu.vector_store %arg8[%swap3A_79, %swap3A_80], %swap3A_83 {strides = array<i32>} : memref<128x128xf32, #tpu.memory_space<vmem>>, vector<1x16xf32>,
      %swap3A_84 = arith.index_cast %scan3A_54 : i32 to index
      %swap3A_85 = arith.constant 96 : index
      %swap3A_86 = tpu.vector_load %arg8[%swap3A_84, %swap3A_85] {strides = array<i32>} : memref<128x128xf32, #tpu.memory_space<vmem>>, vector<1x16xf32>,
      %swap3A_87 = vector.shape_cast %swap3A_86 : vector<1x16xf32> to vector<16xf32>
      %swap3A_88 = vector.shape_cast %broadcast_in_dim3A_1 : vector<16xf32> to vector<1x16xf32>
      tpu.vector_store %arg8[%swap3A_84, %swap3A_85], %swap3A_88 {strides = array<i32>} : memref<128x128xf32, #tpu.memory_space<vmem>>, vector<1x16xf32>,
      %swap3A_89 = arith.index_cast %scan3A_54 : i32 to index
      %swap3A_90 = arith.constant 112 : index
      %swap3A_91 = tpu.vector_load %arg8[%swap3A_89, %swap3A_90] {strides = array<i32>} : memref<128x128xf32, #tpu.memory_space<vmem>>, vector<1x16xf32>,
      %swap3A_92 = vector.shape_cast %swap3A_91 : vector<1x16xf32> to vector<16xf32>
      %swap3A_93 = vector.shape_cast %broadcast_in_dim3A_1 : vector<16xf32> to vector<1x16xf32>
      tpu.vector_store %arg8[%swap3A_89, %swap3A_90], %swap3A_93 {strides = array<i32>} : memref<128x128xf32, #tpu.memory_space<vmem>>, vector<1x16xf32>,
    }
    %scan3A_6 = arith.constant 128 : i32
    %mul3A_7 = arith.constant 640 : i32
    %mul3A_8 = arith.muli %arg1, %mul3A_7 : i32
    %add3A_9 = arith.constant 0 : i32
    %add3A_10 = arith.addi %mul3A_8, %add3A_9 : i32
    "tpu.region"() ({
      %run_scoped3A = tpu.sem_alloc : memref<!tpu.dma_semaphore, #tpu.memory_space<semaphore_mem>>
      %dma_start3A = arith.constant 0 : i32
      %dma_start3A_54 = tpu.memref_slice %arg9[%add3A_10, %dma_start3A] : memref<10240x128xf32, #tpu.memory_space<vmem_shared>> -> memref<128x128xf32, #tpu.memory_space<vmem_shared>>
      %dma_start3A_55 = arith.constant 0 : i32
      %dma_start3A_56 = tpu.memref_slice %arg9[%add3A_10, %dma_start3A_55] : memref<10240x128xf32, #tpu.memory_space<vmem_shared>> -> memref<128x128xf32, #tpu.memory_space<vmem_shared>>
      tpu.enqueue_dma source(%arg8 : memref<128x128xf32, #tpu.memory_space<vmem>>) target(%dma_start3A_56 : memref<128x128xf32, #tpu.memory_space<vmem_shared>>) target_semaphore(%run_scoped3A : memref<!tpu.dma_semaphore, #tpu.memory_space<semaphore_mem>>)
      %dma_wait3A = arith.constant 0 : i32
      %dma_wait3A_57 = tpu.memref_slice %arg9[%add3A_10, %dma_wait3A] : memref<10240x128xf32, #tpu.memory_space<vmem_shared>> -> memref<128x128xf32, #tpu.memory_space<vmem_shared>>
      %dma_wait3A_58 = arith.constant 0 : i32
      %dma_wait3A_59 = tpu.memref_slice %arg9[%add3A_10, %dma_wait3A_58] : memref<10240x128xf32, #tpu.memory_space<vmem_shared>> -> memref<128x128xf32, #tpu.memory_space<vmem_shared>>
      tpu.wait_dma2 semaphore(%run_scoped3A : memref<!tpu.dma_semaphore, #tpu.memory_space<semaphore_mem>>) src(%arg8 : memref<128x128xf32, #tpu.memory_space<vmem>>) dst(%dma_wait3A_59 : memref<128x128xf32, #tpu.memory_space<vmem_shared>>)
      tpu.yield
    }) : () -> ()
    %mul3A_11 = arith.constant 640 : i32
    %mul3A_12 = arith.muli %arg1, %mul3A_11 : i32
    %add3A_13 = arith.constant 128 : i32
    %add3A_14 = arith.addi %mul3A_12, %add3A_13 : i32
    "tpu.region"() ({
      %run_scoped3A = tpu.sem_alloc : memref<!tpu.dma_semaphore, #tpu.memory_space<semaphore_mem>>
      %dma_start3A = arith.constant 0 : i32
      %dma_start3A_54 = tpu.memref_slice %arg9[%add3A_14, %dma_start3A] : memref<10240x128xf32, #tpu.memory_space<vmem_shared>> -> memref<128x128xf32, #tpu.memory_space<vmem_shared>>
      %dma_start3A_55 = arith.constant 0 : i32
      %dma_start3A_56 = tpu.memref_slice %arg9[%add3A_14, %dma_start3A_55] : memref<10240x128xf32, #tpu.memory_space<vmem_shared>> -> memref<128x128xf32, #tpu.memory_space<vmem_shared>>
      tpu.enqueue_dma source(%arg8 : memref<128x128xf32, #tpu.memory_space<vmem>>) target(%dma_start3A_56 : memref<128x128xf32, #tpu.memory_space<vmem_shared>>) target_semaphore(%run_scoped3A : memref<!tpu.dma_semaphore, #tpu.memory_space<semaphore_mem>>)
      %dma_wait3A = arith.constant 0 : i32
      %dma_wait3A_57 = tpu.memref_slice %arg9[%add3A_14, %dma_wait3A] : memref<10240x128xf32, #tpu.memory_space<vmem_shared>> -> memref<128x128xf32, #tpu.memory_space<vmem_shared>>
      %dma_wait3A_58 = arith.constant 0 : i32
      %dma_wait3A_59 = tpu.memref_slice %arg9[%add3A_14, %dma_wait3A_58] : memref<10240x128xf32, #tpu.memory_space<vmem_shared>> -> memref<128x128xf32, #tpu.memory_space<vmem_shared>>
      tpu.wait_dma2 semaphore(%run_scoped3A : memref<!tpu.dma_semaphore, #tpu.memory_space<semaphore_mem>>) src(%arg8 : memref<128x128xf32, #tpu.memory_space<vmem>>) dst(%dma_wait3A_59 : memref<128x128xf32, #tpu.memory_space<vmem_shared>>)
      tpu.yield
    }) : () -> ()
    %mul3A_15 = arith.constant 640 : i32
    %mul3A_16 = arith.muli %arg1, %mul3A_15 : i32
    %add3A_17 = arith.constant 256 : i32
    %add3A_18 = arith.addi %mul3A_16, %add3A_17 : i32
    "tpu.region"() ({
      %run_scoped3A = tpu.sem_alloc : memref<!tpu.dma_semaphore, #tpu.memory_space<semaphore_mem>>
      %dma_start3A = arith.constant 0 : i32
      %dma_start3A_54 = tpu.memref_slice %arg9[%add3A_18, %dma_start3A] : memref<10240x128xf32, #tpu.memory_space<vmem_shared>> -> memref<128x128xf32, #tpu.memory_space<vmem_shared>>
      %dma_start3A_55 = arith.constant 0 : i32
      %dma_start3A_56 = tpu.memref_slice %arg9[%add3A_18, %dma_start3A_55] : memref<10240x128xf32, #tpu.memory_space<vmem_shared>> -> memref<128x128xf32, #tpu.memory_space<vmem_shared>>
      tpu.enqueue_dma source(%arg8 : memref<128x128xf32, #tpu.memory_space<vmem>>) target(%dma_start3A_56 : memref<128x128xf32, #tpu.memory_space<vmem_shared>>) target_semaphore(%run_scoped3A : memref<!tpu.dma_semaphore, #tpu.memory_space<semaphore_mem>>)
      %dma_wait3A = arith.constant 0 : i32
      %dma_wait3A_57 = tpu.memref_slice %arg9[%add3A_18, %dma_wait3A] : memref<10240x128xf32, #tpu.memory_space<vmem_shared>> -> memref<128x128xf32, #tpu.memory_space<vmem_shared>>
      %dma_wait3A_58 = arith.constant 0 : i32
      %dma_wait3A_59 = tpu.memref_slice %arg9[%add3A_18, %dma_wait3A_58] : memref<10240x128xf32, #tpu.memory_space<vmem_shared>> -> memref<128x128xf32, #tpu.memory_space<vmem_shared>>
      tpu.wait_dma2 semaphore(%run_scoped3A : memref<!tpu.dma_semaphore, #tpu.memory_space<semaphore_mem>>) src(%arg8 : memref<128x128xf32, #tpu.memory_space<vmem>>) dst(%dma_wait3A_59 : memref<128x128xf32, #tpu.memory_space<vmem_shared>>)
      tpu.yield
    }) : () -> ()
    %mul3A_19 = arith.constant 640 : i32
    %mul3A_20 = arith.muli %arg1, %mul3A_19 : i32
    %add3A_21 = arith.constant 384 : i32
    %add3A_22 = arith.addi %mul3A_20, %add3A_21 : i32
    "tpu.region"() ({
      %run_scoped3A = tpu.sem_alloc : memref<!tpu.dma_semaphore, #tpu.memory_space<semaphore_mem>>
      %dma_start3A = arith.constant 0 : i32
      %dma_start3A_54 = tpu.memref_slice %arg9[%add3A_22, %dma_start3A] : memref<10240x128xf32, #tpu.memory_space<vmem_shared>> -> memref<128x128xf32, #tpu.memory_space<vmem_shared>>
      %dma_start3A_55 = arith.constant 0 : i32
      %dma_start3A_56 = tpu.memref_slice %arg9[%add3A_22, %dma_start3A_55] : memref<10240x128xf32, #tpu.memory_space<vmem_shared>> -> memref<128x128xf32, #tpu.memory_space<vmem_shared>>
      tpu.enqueue_dma source(%arg8 : memref<128x128xf32, #tpu.memory_space<vmem>>) target(%dma_start3A_56 : memref<128x128xf32, #tpu.memory_space<vmem_shared>>) target_semaphore(%run_scoped3A : memref<!tpu.dma_semaphore, #tpu.memory_space<semaphore_mem>>)
      %dma_wait3A = arith.constant 0 : i32
      %dma_wait3A_57 = tpu.memref_slice %arg9[%add3A_22, %dma_wait3A] : memref<10240x128xf32, #tpu.memory_space<vmem_shared>> -> memref<128x128xf32, #tpu.memory_space<vmem_shared>>
      %dma_wait3A_58 = arith.constant 0 : i32
      %dma_wait3A_59 = tpu.memref_slice %arg9[%add3A_22, %dma_wait3A_58] : memref<10240x128xf32, #tpu.memory_space<vmem_shared>> -> memref<128x128xf32, #tpu.memory_space<vmem_shared>>
      tpu.wait_dma2 semaphore(%run_scoped3A : memref<!tpu.dma_semaphore, #tpu.memory_space<semaphore_mem>>) src(%arg8 : memref<128x128xf32, #tpu.memory_space<vmem>>) dst(%dma_wait3A_59 : memref<128x128xf32, #tpu.memory_space<vmem_shared>>)
      tpu.yield
    }) : () -> ()
    %mul3A_23 = arith.constant 640 : i32
    %mul3A_24 = arith.muli %arg1, %mul3A_23 : i32
    %add3A_25 = arith.constant 512 : i32
    %add3A_26 = arith.addi %mul3A_24, %add3A_25 : i32
    "tpu.region"() ({
      %run_scoped3A = tpu.sem_alloc : memref<!tpu.dma_semaphore, #tpu.memory_space<semaphore_mem>>
      %dma_start3A = arith.constant 0 : i32
      %dma_start3A_54 = tpu.memref_slice %arg9[%add3A_26, %dma_start3A] : memref<10240x128xf32, #tpu.memory_space<vmem_shared>> -> memref<128x128xf32, #tpu.memory_space<vmem_shared>>
      %dma_start3A_55 = arith.constant 0 : i32
      %dma_start3A_56 = tpu.memref_slice %arg9[%add3A_26, %dma_start3A_55] : memref<10240x128xf32, #tpu.memory_space<vmem_shared>> -> memref<128x128xf32, #tpu.memory_space<vmem_shared>>
      tpu.enqueue_dma source(%arg8 : memref<128x128xf32, #tpu.memory_space<vmem>>) target(%dma_start3A_56 : memref<128x128xf32, #tpu.memory_space<vmem_shared>>) target_semaphore(%run_scoped3A : memref<!tpu.dma_semaphore, #tpu.memory_space<semaphore_mem>>)
      %dma_wait3A = arith.constant 0 : i32
      %dma_wait3A_57 = tpu.memref_slice %arg9[%add3A_26, %dma_wait3A] : memref<10240x128xf32, #tpu.memory_space<vmem_shared>> -> memref<128x128xf32, #tpu.memory_space<vmem_shared>>
      %dma_wait3A_58 = arith.constant 0 : i32
      %dma_wait3A_59 = tpu.memref_slice %arg9[%add3A_26, %dma_wait3A_58] : memref<10240x128xf32, #tpu.memory_space<vmem_shared>> -> memref<128x128xf32, #tpu.memory_space<vmem_shared>>
      tpu.wait_dma2 semaphore(%run_scoped3A : memref<!tpu.dma_semaphore, #tpu.memory_space<semaphore_mem>>) src(%arg8 : memref<128x128xf32, #tpu.memory_space<vmem>>) dst(%dma_wait3A_59 : memref<128x128xf32, #tpu.memory_space<vmem_shared>>)
      tpu.yield
    }) : () -> ()
    %barrier3A = arith.constant 0 : index
    tpu.barrier barrier_id(%barrier3A)
    %scan3A_27 = arith.constant 0 : i32
    %scan3A_28 = arith.constant 0 : i32
    %scan3A_29 = arith.constant 80 : i32
    %scan3A_30 = arith.addi %scan3A_28, %scan3A_29 : i32
    %scan3A_31 = arith.constant 1 : i32
    scf.for %scan3A_54 = %scan3A_28 to %scan3A_30 step %scan3A_31  : i32 {
      %dma_start3A = arith.constant 0 : i32
      %dma_start3A_55 = tpu.memref_slice %arg6[%scan3A_54, %dma_start3A] : memref<80x128xi32, #tpu.memory_space<vmem>> -> memref<1x128xi32, #tpu.memory_space<vmem>>
      %dma_start3A_56 = tpu.memref_squeeze %dma_start3A_55 : memref<1x128xi32, #tpu.memory_space<vmem>> -> memref<128xi32, #tpu.memory_space<vmem>>
      %dma_start3A_57 = arith.constant 0 : i32
      %dma_start3A_58 = arith.constant 0 : i32
      %dma_start3A_59 = tpu.memref_slice %arg2[%dma_start3A_57, %dma_start3A_58] : memref<10240x128xf32, #tpu.memory_space<hbm>> -> memref<10240x128xf32, #tpu.memory_space<hbm>>
      tpu.enqueue_indirect_dma source(%dma_start3A_59 : memref<10240x128xf32, #tpu.memory_space<hbm>>) target(%arg8 : memref<128x128xf32, #tpu.memory_space<vmem>>) offsets(%dma_start3A_56 : memref<128xi32, #tpu.memory_space<vmem>>) semaphore(%arg10 : memref<!tpu.dma_semaphore, #tpu.memory_space<semaphore_mem>>)
      %dma_wait3A = arith.constant 0 : i32
      %dma_wait3A_60 = tpu.memref_slice %arg6[%scan3A_54, %dma_wait3A] : memref<80x128xi32, #tpu.memory_space<vmem>> -> memref<1x128xi32, #tpu.memory_space<vmem>>
      %dma_wait3A_61 = tpu.memref_squeeze %dma_wait3A_60 : memref<1x128xi32, #tpu.memory_space<vmem>> -> memref<128xi32, #tpu.memory_space<vmem>>
      %dma_wait3A_62 = arith.constant 0 : i32
      %dma_wait3A_63 = arith.constant 0 : i32
      %dma_wait3A_64 = tpu.memref_slice %arg2[%dma_wait3A_62, %dma_wait3A_63] : memref<10240x128xf32, #tpu.memory_space<hbm>> -> memref<10240x128xf32, #tpu.memory_space<hbm>>
      tpu.wait_indirect_dma semaphore(%arg10 : memref<!tpu.dma_semaphore, #tpu.memory_space<semaphore_mem>>) src(%dma_wait3A_64 : memref<10240x128xf32, #tpu.memory_space<hbm>>) dst(%arg8 : memref<128x128xf32, #tpu.memory_space<vmem>>)
      "tpu.region"() ({
        %run_scoped3A = tpu.sem_alloc : memref<!tpu.dma_semaphore, #tpu.memory_space<semaphore_mem>>
        %dma_start3A_65 = arith.constant 0 : i32
        %dma_start3A_66 = tpu.memref_slice %arg7[%scan3A_54, %dma_start3A_65] : memref<80x128xi32, #tpu.memory_space<vmem>> -> memref<1x128xi32, #tpu.memory_space<vmem>>
        %dma_start3A_67 = tpu.memref_squeeze %dma_start3A_66 : memref<1x128xi32, #tpu.memory_space<vmem>> -> memref<128xi32, #tpu.memory_space<vmem>>
        %dma_start3A_68 = arith.constant 0 : i32
        %dma_start3A_69 = arith.constant 0 : i32
        %dma_start3A_70 = tpu.memref_slice %arg9[%dma_start3A_68, %dma_start3A_69] : memref<10240x128xf32, #tpu.memory_space<vmem_shared>> -> memref<10240x128xf32, #tpu.memory_space<vmem_shared>>
        tpu.enqueue_indirect_dma source(%arg8 : memref<128x128xf32, #tpu.memory_space<vmem>>) target(%dma_start3A_70 : memref<10240x128xf32, #tpu.memory_space<vmem_shared>>) offsets(%dma_start3A_67 : memref<128xi32, #tpu.memory_space<vmem>>) semaphore(%run_scoped3A : memref<!tpu.dma_semaphore, #tpu.memory_space<semaphore_mem>>) {add = true}
        %dma_wait3A_71 = arith.constant 0 : i32
        %dma_wait3A_72 = tpu.memref_slice %arg7[%scan3A_54, %dma_wait3A_71] : memref<80x128xi32, #tpu.memory_space<vmem>> -> memref<1x128xi32, #tpu.memory_space<vmem>>
        %dma_wait3A_73 = tpu.memref_squeeze %dma_wait3A_72 : memref<1x128xi32, #tpu.memory_space<vmem>> -> memref<128xi32, #tpu.memory_space<vmem>>
        %dma_wait3A_74 = arith.constant 0 : i32
        %dma_wait3A_75 = arith.constant 0 : i32
        %dma_wait3A_76 = tpu.memref_slice %arg9[%dma_wait3A_74, %dma_wait3A_75] : memref<10240x128xf32, #tpu.memory_space<vmem_shared>> -> memref<10240x128xf32, #tpu.memory_space<vmem_shared>>
        tpu.wait_indirect_dma semaphore(%run_scoped3A : memref<!tpu.dma_semaphore, #tpu.memory_space<semaphore_mem>>) src(%arg8 : memref<128x128xf32, #tpu.memory_space<vmem>>) dst(%dma_wait3A_76 : memref<10240x128xf32, #tpu.memory_space<vmem_shared>>)
        tpu.yield
      }) : () -> ()
    }
    %scan3A_32 = arith.constant 80 : i32
    %barrier3A_33 = arith.constant 0 : index
    tpu.barrier barrier_id(%barrier3A_33)
    %mul3A_34 = arith.constant 640 : i32
    %mul3A_35 = arith.muli %arg1, %mul3A_34 : i32
    %add3A_36 = arith.constant 0 : i32
    %add3A_37 = arith.addi %mul3A_35, %add3A_36 : i32
    "tpu.region"() ({
      %run_scoped3A = tpu.sem_alloc : memref<!tpu.dma_semaphore, #tpu.memory_space<semaphore_mem>>
      %dma_start3A = arith.constant 0 : i32
      %dma_start3A_54 = tpu.memref_slice %arg5[%arg0, %add3A_37, %dma_start3A] : memref<2x10240x128xf32, #tpu.memory_space<hbm>> -> memref<1x128x128xf32, #tpu.memory_space<hbm>>
      %dma_start3A_55 = tpu.memref_squeeze %dma_start3A_54 : memref<1x128x128xf32, #tpu.memory_space<hbm>> -> memref<128x128xf32, #tpu.memory_space<hbm>>
      %dma_start3A_56 = arith.constant 0 : i32
      %dma_start3A_57 = tpu.memref_slice %arg9[%add3A_37, %dma_start3A_56] : memref<10240x128xf32, #tpu.memory_space<vmem_shared>> -> memref<128x128xf32, #tpu.memory_space<vmem_shared>>
      tpu.enqueue_dma source(%dma_start3A_57 : memref<128x128xf32, #tpu.memory_space<vmem_shared>>) target(%dma_start3A_55 : memref<128x128xf32, #tpu.memory_space<hbm>>) target_semaphore(%run_scoped3A : memref<!tpu.dma_semaphore, #tpu.memory_space<semaphore_mem>>)
      %dma_wait3A = arith.constant 0 : i32
      %dma_wait3A_58 = tpu.memref_slice %arg5[%arg0, %add3A_37, %dma_wait3A] : memref<2x10240x128xf32, #tpu.memory_space<hbm>> -> memref<1x128x128xf32, #tpu.memory_space<hbm>>
      %dma_wait3A_59 = tpu.memref_squeeze %dma_wait3A_58 : memref<1x128x128xf32, #tpu.memory_space<hbm>> -> memref<128x128xf32, #tpu.memory_space<hbm>>
      %dma_wait3A_60 = arith.constant 0 : i32
      %dma_wait3A_61 = tpu.memref_slice %arg9[%add3A_37, %dma_wait3A_60] : memref<10240x128xf32, #tpu.memory_space<vmem_shared>> -> memref<128x128xf32, #tpu.memory_space<vmem_shared>>
      tpu.wait_dma2 semaphore(%run_scoped3A : memref<!tpu.dma_semaphore, #tpu.memory_space<semaphore_mem>>) src(%dma_wait3A_61 : memref<128x128xf32, #tpu.memory_space<vmem_shared>>) dst(%dma_wait3A_59 : memref<128x128xf32, #tpu.memory_space<hbm>>)
      tpu.yield
    }) : () -> ()
    %mul3A_38 = arith.constant 640 : i32
    %mul3A_39 = arith.muli %arg1, %mul3A_38 : i32
    %add3A_40 = arith.constant 128 : i32
    %add3A_41 = arith.addi %mul3A_39, %add3A_40 : i32
    "tpu.region"() ({
      %run_scoped3A = tpu.sem_alloc : memref<!tpu.dma_semaphore, #tpu.memory_space<semaphore_mem>>
      %dma_start3A = arith.constant 0 : i32
      %dma_start3A_54 = tpu.memref_slice %arg5[%arg0, %add3A_41, %dma_start3A] : memref<2x10240x128xf32, #tpu.memory_space<hbm>> -> memref<1x128x128xf32, #tpu.memory_space<hbm>>
      %dma_start3A_55 = tpu.memref_squeeze %dma_start3A_54 : memref<1x128x128xf32, #tpu.memory_space<hbm>> -> memref<128x128xf32, #tpu.memory_space<hbm>>
      %dma_start3A_56 = arith.constant 0 : i32
      %dma_start3A_57 = tpu.memref_slice %arg9[%add3A_41, %dma_start3A_56] : memref<10240x128xf32, #tpu.memory_space<vmem_shared>> -> memref<128x128xf32, #tpu.memory_space<vmem_shared>>
      tpu.enqueue_dma source(%dma_start3A_57 : memref<128x128xf32, #tpu.memory_space<vmem_shared>>) target(%dma_start3A_55 : memref<128x128xf32, #tpu.memory_space<hbm>>) target_semaphore(%run_scoped3A : memref<!tpu.dma_semaphore, #tpu.memory_space<semaphore_mem>>)
      %dma_wait3A = arith.constant 0 : i32
      %dma_wait3A_58 = tpu.memref_slice %arg5[%arg0, %add3A_41, %dma_wait3A] : memref<2x10240x128xf32, #tpu.memory_space<hbm>> -> memref<1x128x128xf32, #tpu.memory_space<hbm>>
      %dma_wait3A_59 = tpu.memref_squeeze %dma_wait3A_58 : memref<1x128x128xf32, #tpu.memory_space<hbm>> -> memref<128x128xf32, #tpu.memory_space<hbm>>
      %dma_wait3A_60 = arith.constant 0 : i32
      %dma_wait3A_61 = tpu.memref_slice %arg9[%add3A_41, %dma_wait3A_60] : memref<10240x128xf32, #tpu.memory_space<vmem_shared>> -> memref<128x128xf32, #tpu.memory_space<vmem_shared>>
      tpu.wait_dma2 semaphore(%run_scoped3A : memref<!tpu.dma_semaphore, #tpu.memory_space<semaphore_mem>>) src(%dma_wait3A_61 : memref<128x128xf32, #tpu.memory_space<vmem_shared>>) dst(%dma_wait3A_59 : memref<128x128xf32, #tpu.memory_space<hbm>>)
      tpu.yield
    }) : () -> ()
    %mul3A_42 = arith.constant 640 : i32
    %mul3A_43 = arith.muli %arg1, %mul3A_42 : i32
    %add3A_44 = arith.constant 256 : i32
    %add3A_45 = arith.addi %mul3A_43, %add3A_44 : i32
    "tpu.region"() ({
      %run_scoped3A = tpu.sem_alloc : memref<!tpu.dma_semaphore, #tpu.memory_space<semaphore_mem>>
      %dma_start3A = arith.constant 0 : i32
      %dma_start3A_54 = tpu.memref_slice %arg5[%arg0, %add3A_45, %dma_start3A] : memref<2x10240x128xf32, #tpu.memory_space<hbm>> -> memref<1x128x128xf32, #tpu.memory_space<hbm>>
      %dma_start3A_55 = tpu.memref_squeeze %dma_start3A_54 : memref<1x128x128xf32, #tpu.memory_space<hbm>> -> memref<128x128xf32, #tpu.memory_space<hbm>>
      %dma_start3A_56 = arith.constant 0 : i32
      %dma_start3A_57 = tpu.memref_slice %arg9[%add3A_45, %dma_start3A_56] : memref<10240x128xf32, #tpu.memory_space<vmem_shared>> -> memref<128x128xf32, #tpu.memory_space<vmem_shared>>
      tpu.enqueue_dma source(%dma_start3A_57 : memref<128x128xf32, #tpu.memory_space<vmem_shared>>) target(%dma_start3A_55 : memref<128x128xf32, #tpu.memory_space<hbm>>) target_semaphore(%run_scoped3A : memref<!tpu.dma_semaphore, #tpu.memory_space<semaphore_mem>>)
      %dma_wait3A = arith.constant 0 : i32
      %dma_wait3A_58 = tpu.memref_slice %arg5[%arg0, %add3A_45, %dma_wait3A] : memref<2x10240x128xf32, #tpu.memory_space<hbm>> -> memref<1x128x128xf32, #tpu.memory_space<hbm>>
      %dma_wait3A_59 = tpu.memref_squeeze %dma_wait3A_58 : memref<1x128x128xf32, #tpu.memory_space<hbm>> -> memref<128x128xf32, #tpu.memory_space<hbm>>
      %dma_wait3A_60 = arith.constant 0 : i32
      %dma_wait3A_61 = tpu.memref_slice %arg9[%add3A_45, %dma_wait3A_60] : memref<10240x128xf32, #tpu.memory_space<vmem_shared>> -> memref<128x128xf32, #tpu.memory_space<vmem_shared>>
      tpu.wait_dma2 semaphore(%run_scoped3A : memref<!tpu.dma_semaphore, #tpu.memory_space<semaphore_mem>>) src(%dma_wait3A_61 : memref<128x128xf32, #tpu.memory_space<vmem_shared>>) dst(%dma_wait3A_59 : memref<128x128xf32, #tpu.memory_space<hbm>>)
      tpu.yield
    }) : () -> ()
    %mul3A_46 = arith.constant 640 : i32
    %mul3A_47 = arith.muli %arg1, %mul3A_46 : i32
    %add3A_48 = arith.constant 384 : i32
    %add3A_49 = arith.addi %mul3A_47, %add3A_48 : i32
    "tpu.region"() ({
      %run_scoped3A = tpu.sem_alloc : memref<!tpu.dma_semaphore, #tpu.memory_space<semaphore_mem>>
      %dma_start3A = arith.constant 0 : i32
      %dma_start3A_54 = tpu.memref_slice %arg5[%arg0, %add3A_49, %dma_start3A] : memref<2x10240x128xf32, #tpu.memory_space<hbm>> -> memref<1x128x128xf32, #tpu.memory_space<hbm>>
      %dma_start3A_55 = tpu.memref_squeeze %dma_start3A_54 : memref<1x128x128xf32, #tpu.memory_space<hbm>> -> memref<128x128xf32, #tpu.memory_space<hbm>>
      %dma_start3A_56 = arith.constant 0 : i32
      %dma_start3A_57 = tpu.memref_slice %arg9[%add3A_49, %dma_start3A_56] : memref<10240x128xf32, #tpu.memory_space<vmem_shared>> -> memref<128x128xf32, #tpu.memory_space<vmem_shared>>
      tpu.enqueue_dma source(%dma_start3A_57 : memref<128x128xf32, #tpu.memory_space<vmem_shared>>) target(%dma_start3A_55 : memref<128x128xf32, #tpu.memory_space<hbm>>) target_semaphore(%run_scoped3A : memref<!tpu.dma_semaphore, #tpu.memory_space<semaphore_mem>>)
      %dma_wait3A = arith.constant 0 : i32
      %dma_wait3A_58 = tpu.memref_slice %arg5[%arg0, %add3A_49, %dma_wait3A] : memref<2x10240x128xf32, #tpu.memory_space<hbm>> -> memref<1x128x128xf32, #tpu.memory_space<hbm>>
      %dma_wait3A_59 = tpu.memref_squeeze %dma_wait3A_58 : memref<1x128x128xf32, #tpu.memory_space<hbm>> -> memref<128x128xf32, #tpu.memory_space<hbm>>
      %dma_wait3A_60 = arith.constant 0 : i32
      %dma_wait3A_61 = tpu.memref_slice %arg9[%add3A_49, %dma_wait3A_60] : memref<10240x128xf32, #tpu.memory_space<vmem_shared>> -> memref<128x128xf32, #tpu.memory_space<vmem_shared>>
      tpu.wait_dma2 semaphore(%run_scoped3A : memref<!tpu.dma_semaphore, #tpu.memory_space<semaphore_mem>>) src(%dma_wait3A_61 : memref<128x128xf32, #tpu.memory_space<vmem_shared>>) dst(%dma_wait3A_59 : memref<128x128xf32, #tpu.memory_space<hbm>>)
      tpu.yield
    }) : () -> ()
    %mul3A_50 = arith.constant 640 : i32
    %mul3A_51 = arith.muli %arg1, %mul3A_50 : i32
    %add3A_52 = arith.constant 512 : i32
    %add3A_53 = arith.addi %mul3A_51, %add3A_52 : i32
    "tpu.region"() ({
      %run_scoped3A = tpu.sem_alloc : memref<!tpu.dma_semaphore, #tpu.memory_space<semaphore_mem>>
      %dma_start3A = arith.constant 0 : i32
      %dma_start3A_54 = tpu.memref_slice %arg5[%arg0, %add3A_53, %dma_start3A] : memref<2x10240x128xf32, #tpu.memory_space<hbm>> -> memref<1x128x128xf32, #tpu.memory_space<hbm>>
      %dma_start3A_55 = tpu.memref_squeeze %dma_start3A_54 : memref<1x128x128xf32, #tpu.memory_space<hbm>> -> memref<128x128xf32, #tpu.memory_space<hbm>>
      %dma_start3A_56 = arith.constant 0 : i32
      %dma_start3A_57 = tpu.memref_slice %arg9[%add3A_53, %dma_start3A_56] : memref<10240x128xf32, #tpu.memory_space<vmem_shared>> -> memref<128x128xf32, #tpu.memory_space<vmem_shared>>
      tpu.enqueue_dma source(%dma_start3A_57 : memref<128x128xf32, #tpu.memory_space<vmem_shared>>) target(%dma_start3A_55 : memref<128x128xf32, #tpu.memory_space<hbm>>) target_semaphore(%run_scoped3A : memref<!tpu.dma_semaphore, #tpu.memory_space<semaphore_mem>>)
      %dma_wait3A = arith.constant 0 : i32
      %dma_wait3A_58 = tpu.memref_slice %arg5[%arg0, %add3A_53, %dma_wait3A] : memref<2x10240x128xf32, #tpu.memory_space<hbm>> -> memref<1x128x128xf32, #tpu.memory_space<hbm>>
      %dma_wait3A_59 = tpu.memref_squeeze %dma_wait3A_58 : memref<1x128x128xf32, #tpu.memory_space<hbm>> -> memref<128x128xf32, #tpu.memory_space<hbm>>
      %dma_wait3A_60 = arith.constant 0 : i32
      %dma_wait3A_61 = tpu.memref_slice %arg9[%add3A_53, %dma_wait3A_60] : memref<10240x128xf32, #tpu.memory_space<vmem_shared>> -> memref<128x128xf32, #tpu.memory_space<vmem_shared>>
      tpu.wait_dma2 semaphore(%run_scoped3A : memref<!tpu.dma_semaphore, #tpu.memory_space<semaphore_mem>>) src(%dma_wait3A_61 : memref<128x128xf32, #tpu.memory_space<vmem_shared>>) dst(%dma_wait3A_59 : memref<128x128xf32, #tpu.memory_space<hbm>>)
      tpu.yield
    }) : () -> ()
    return
  }
}

#map = affine_map<(d0, d1) -> (0, 0)>
#map1 = affine_map<(d0, d1) -> (0, 0, 0)>
module attributes {stable_mosaic.version = 14 : i64} {
  func.func @k(%arg0: i32, %arg1: i32, %arg2: memref<10240x16xf32, #tpu.memory_space<hbm>>, %arg3: memref<32x80x128xi32, #tpu.memory_space<hbm>>, %arg4: memref<32x80x128xi32, #tpu.memory_space<hbm>>, %arg5: memref<2x10240x16xf32, #tpu.memory_space<hbm>>, %arg6: memref<80x128xi32, #tpu.memory_space<vmem>>, %arg7: memref<80x128xi32, #tpu.memory_space<vmem>>, %arg8: memref<128x16xf32, #tpu.memory_space<vmem>>, %arg9: memref<10240x16xf32, #tpu.memory_space<vmem_shared>>, %arg10: memref<!tpu.dma_semaphore, #tpu.memory_space<semaphore_mem>>) attributes {dimension_semantics = [#tpu.dimension_semantics<core_parallel>, #tpu.dimension_semantics<subcore_parallel>], iteration_bounds = array<i64: 2, 16>, scalar_prefetch = 0 : i64, scratch_operands = 5 : i64, tpu.core_type = #tpu.core_type<sc_vector_subcore>, window_params = [{transform_indices = #map}, {transform_indices = #map1}, {transform_indices = #map1}, {transform_indices = #map1}]} {
    %mul3A = arith.constant 2 : i32
    %mul3A_0 = arith.muli %arg1, %mul3A : i32
    %add3A = arith.addi %mul3A_0, %arg0 : i32
    "tpu.region"() ({
      %run_scoped3A = tpu.sem_alloc : memref<!tpu.dma_semaphore, #tpu.memory_space<semaphore_mem>>
      %dma_start3A = arith.constant 0 : i32
      %dma_start3A_54 = arith.constant 0 : i32
      %dma_start3A_55 = tpu.memref_slice %arg3[%add3A, %dma_start3A, %dma_start3A_54] : memref<32x80x128xi32, #tpu.memory_space<hbm>> -> memref<1x80x128xi32, #tpu.memory_space<hbm>>
      %dma_start3A_56 = tpu.memref_squeeze %dma_start3A_55 : memref<1x80x128xi32, #tpu.memory_space<hbm>> -> memref<80x128xi32, #tpu.memory_space<hbm>>
      %dma_start3A_57 = arith.constant 0 : i32
      %dma_start3A_58 = arith.constant 0 : i32
      %dma_start3A_59 = tpu.memref_slice %arg3[%add3A, %dma_start3A_57, %dma_start3A_58] : memref<32x80x128xi32, #tpu.memory_space<hbm>> -> memref<1x80x128xi32, #tpu.memory_space<hbm>>
      %dma_start3A_60 = tpu.memref_squeeze %dma_start3A_59 : memref<1x80x128xi32, #tpu.memory_space<hbm>> -> memref<80x128xi32, #tpu.memory_space<hbm>>
      tpu.enqueue_dma source(%dma_start3A_60 : memref<80x128xi32, #tpu.memory_space<hbm>>) target(%arg6 : memref<80x128xi32, #tpu.memory_space<vmem>>) target_semaphore(%run_scoped3A : memref<!tpu.dma_semaphore, #tpu.memory_space<semaphore_mem>>)
      %dma_wait3A = arith.constant 0 : i32
      %dma_wait3A_61 = arith.constant 0 : i32
      %dma_wait3A_62 = tpu.memref_slice %arg3[%add3A, %dma_wait3A, %dma_wait3A_61] : memref<32x80x128xi32, #tpu.memory_space<hbm>> -> memref<1x80x128xi32, #tpu.memory_space<hbm>>
      %dma_wait3A_63 = tpu.memref_squeeze %dma_wait3A_62 : memref<1x80x128xi32, #tpu.memory_space<hbm>> -> memref<80x128xi32, #tpu.memory_space<hbm>>
      %dma_wait3A_64 = arith.constant 0 : i32
      %dma_wait3A_65 = arith.constant 0 : i32
      %dma_wait3A_66 = tpu.memref_slice %arg3[%add3A, %dma_wait3A_64, %dma_wait3A_65] : memref<32x80x128xi32, #tpu.memory_space<hbm>> -> memref<1x80x128xi32, #tpu.memory_space<hbm>>
      %dma_wait3A_67 = tpu.memref_squeeze %dma_wait3A_66 : memref<1x80x128xi32, #tpu.memory_space<hbm>> -> memref<80x128xi32, #tpu.memory_space<hbm>>
      tpu.wait_dma2 semaphore(%run_scoped3A : memref<!tpu.dma_semaphore, #tpu.memory_space<semaphore_mem>>) src(%dma_wait3A_67 : memref<80x128xi32, #tpu.memory_space<hbm>>) dst(%arg6 : memref<80x128xi32, #tpu.memory_space<vmem>>)
      tpu.yield
    }) : () -> ()
    "tpu.region"() ({
      %run_scoped3A = tpu.sem_alloc : memref<!tpu.dma_semaphore, #tpu.memory_space<semaphore_mem>>
      %dma_start3A = arith.constant 0 : i32
      %dma_start3A_54 = arith.constant 0 : i32
      %dma_start3A_55 = tpu.memref_slice %arg4[%add3A, %dma_start3A, %dma_start3A_54] : memref<32x80x128xi32, #tpu.memory_space<hbm>> -> memref<1x80x128xi32, #tpu.memory_space<hbm>>
      %dma_start3A_56 = tpu.memref_squeeze %dma_start3A_55 : memref<1x80x128xi32, #tpu.memory_space<hbm>> -> memref<80x128xi32, #tpu.memory_space<hbm>>
      %dma_start3A_57 = arith.constant 0 : i32
      %dma_start3A_58 = arith.constant 0 : i32
      %dma_start3A_59 = tpu.memref_slice %arg4[%add3A, %dma_start3A_57, %dma_start3A_58] : memref<32x80x128xi32, #tpu.memory_space<hbm>> -> memref<1x80x128xi32, #tpu.memory_space<hbm>>
      %dma_start3A_60 = tpu.memref_squeeze %dma_start3A_59 : memref<1x80x128xi32, #tpu.memory_space<hbm>> -> memref<80x128xi32, #tpu.memory_space<hbm>>
      tpu.enqueue_dma source(%dma_start3A_60 : memref<80x128xi32, #tpu.memory_space<hbm>>) target(%arg7 : memref<80x128xi32, #tpu.memory_space<vmem>>) target_semaphore(%run_scoped3A : memref<!tpu.dma_semaphore, #tpu.memory_space<semaphore_mem>>)
      %dma_wait3A = arith.constant 0 : i32
      %dma_wait3A_61 = arith.constant 0 : i32
      %dma_wait3A_62 = tpu.memref_slice %arg4[%add3A, %dma_wait3A, %dma_wait3A_61] : memref<32x80x128xi32, #tpu.memory_space<hbm>> -> memref<1x80x128xi32, #tpu.memory_space<hbm>>
      %dma_wait3A_63 = tpu.memref_squeeze %dma_wait3A_62 : memref<1x80x128xi32, #tpu.memory_space<hbm>> -> memref<80x128xi32, #tpu.memory_space<hbm>>
      %dma_wait3A_64 = arith.constant 0 : i32
      %dma_wait3A_65 = arith.constant 0 : i32
      %dma_wait3A_66 = tpu.memref_slice %arg4[%add3A, %dma_wait3A_64, %dma_wait3A_65] : memref<32x80x128xi32, #tpu.memory_space<hbm>> -> memref<1x80x128xi32, #tpu.memory_space<hbm>>
      %dma_wait3A_67 = tpu.memref_squeeze %dma_wait3A_66 : memref<1x80x128xi32, #tpu.memory_space<hbm>> -> memref<80x128xi32, #tpu.memory_space<hbm>>
      tpu.wait_dma2 semaphore(%run_scoped3A : memref<!tpu.dma_semaphore, #tpu.memory_space<semaphore_mem>>) src(%dma_wait3A_67 : memref<80x128xi32, #tpu.memory_space<hbm>>) dst(%arg7 : memref<80x128xi32, #tpu.memory_space<vmem>>)
      tpu.yield
    }) : () -> ()
    %broadcast_in_dim3A = arith.constant 0.000000e+00 : f32
    %broadcast_in_dim3A_1 = vector.broadcast %broadcast_in_dim3A : f32 to vector<16xf32>
    %scan3A = arith.constant 0 : i32
    %scan3A_2 = arith.constant 0 : i32
    %scan3A_3 = arith.constant 128 : i32
    %scan3A_4 = arith.addi %scan3A_2, %scan3A_3 : i32
    %scan3A_5 = arith.constant 1 : i32
    scf.for %scan3A_54 = %scan3A_2 to %scan3A_4 step %scan3A_5  : i32 {
      %swap3A = arith.index_cast %scan3A_54 : i32 to index
      %swap3A_55 = arith.constant 0 : index
      %swap3A_56 = tpu.vector_load %arg8[%swap3A, %swap3A_55] {strides = array<i32>} : memref<128x16xf32, #tpu.memory_space<vmem>>, vector<1x16xf32>,
      %swap3A_57 = vector.shape_cast %swap3A_56 : vector<1x16xf32> to vector<16xf32>
      %swap3A_58 = vector.shape_cast %broadcast_in_dim3A_1 : vector<16xf32> to vector<1x16xf32>
      tpu.vector_store %arg8[%swap3A, %swap3A_55], %swap3A_58 {strides = array<i32>} : memref<128x16xf32, #tpu.memory_space<vmem>>, vector<1x16xf32>,
    }
    %scan3A_6 = arith.constant 128 : i32
    %mul3A_7 = arith.constant 640 : i32
    %mul3A_8 = arith.muli %arg1, %mul3A_7 : i32
    %add3A_9 = arith.constant 0 : i32
    %add3A_10 = arith.addi %mul3A_8, %add3A_9 : i32
    "tpu.region"() ({
      %run_scoped3A = tpu.sem_alloc : memref<!tpu.dma_semaphore, #tpu.memory_space<semaphore_mem>>
      %dma_start3A = arith.constant 0 : i32
      %dma_start3A_54 = tpu.memref_slice %arg9[%add3A_10, %dma_start3A] : memref<10240x16xf32, #tpu.memory_space<vmem_shared>> -> memref<128x16xf32, #tpu.memory_space<vmem_shared>>
      %dma_start3A_55 = arith.constant 0 : i32
      %dma_start3A_56 = tpu.memref_slice %arg9[%add3A_10, %dma_start3A_55] : memref<10240x16xf32, #tpu.memory_space<vmem_shared>> -> memref<128x16xf32, #tpu.memory_space<vmem_shared>>
      tpu.enqueue_dma source(%arg8 : memref<128x16xf32, #tpu.memory_space<vmem>>) target(%dma_start3A_56 : memref<128x16xf32, #tpu.memory_space<vmem_shared>>) target_semaphore(%run_scoped3A : memref<!tpu.dma_semaphore, #tpu.memory_space<semaphore_mem>>)
      %dma_wait3A = arith.constant 0 : i32
      %dma_wait3A_57 = tpu.memref_slice %arg9[%add3A_10, %dma_wait3A] : memref<10240x16xf32, #tpu.memory_space<vmem_shared>> -> memref<128x16xf32, #tpu.memory_space<vmem_shared>>
      %dma_wait3A_58 = arith.constant 0 : i32
      %dma_wait3A_59 = tpu.memref_slice %arg9[%add3A_10, %dma_wait3A_58] : memref<10240x16xf32, #tpu.memory_space<vmem_shared>> -> memref<128x16xf32, #tpu.memory_space<vmem_shared>>
      tpu.wait_dma2 semaphore(%run_scoped3A : memref<!tpu.dma_semaphore, #tpu.memory_space<semaphore_mem>>) src(%arg8 : memref<128x16xf32, #tpu.memory_space<vmem>>) dst(%dma_wait3A_59 : memref<128x16xf32, #tpu.memory_space<vmem_shared>>)
      tpu.yield
    }) : () -> ()
    %mul3A_11 = arith.constant 640 : i32
    %mul3A_12 = arith.muli %arg1, %mul3A_11 : i32
    %add3A_13 = arith.constant 128 : i32
    %add3A_14 = arith.addi %mul3A_12, %add3A_13 : i32
    "tpu.region"() ({
      %run_scoped3A = tpu.sem_alloc : memref<!tpu.dma_semaphore, #tpu.memory_space<semaphore_mem>>
      %dma_start3A = arith.constant 0 : i32
      %dma_start3A_54 = tpu.memref_slice %arg9[%add3A_14, %dma_start3A] : memref<10240x16xf32, #tpu.memory_space<vmem_shared>> -> memref<128x16xf32, #tpu.memory_space<vmem_shared>>
      %dma_start3A_55 = arith.constant 0 : i32
      %dma_start3A_56 = tpu.memref_slice %arg9[%add3A_14, %dma_start3A_55] : memref<10240x16xf32, #tpu.memory_space<vmem_shared>> -> memref<128x16xf32, #tpu.memory_space<vmem_shared>>
      tpu.enqueue_dma source(%arg8 : memref<128x16xf32, #tpu.memory_space<vmem>>) target(%dma_start3A_56 : memref<128x16xf32, #tpu.memory_space<vmem_shared>>) target_semaphore(%run_scoped3A : memref<!tpu.dma_semaphore, #tpu.memory_space<semaphore_mem>>)
      %dma_wait3A = arith.constant 0 : i32
      %dma_wait3A_57 = tpu.memref_slice %arg9[%add3A_14, %dma_wait3A] : memref<10240x16xf32, #tpu.memory_space<vmem_shared>> -> memref<128x16xf32, #tpu.memory_space<vmem_shared>>
      %dma_wait3A_58 = arith.constant 0 : i32
      %dma_wait3A_59 = tpu.memref_slice %arg9[%add3A_14, %dma_wait3A_58] : memref<10240x16xf32, #tpu.memory_space<vmem_shared>> -> memref<128x16xf32, #tpu.memory_space<vmem_shared>>
      tpu.wait_dma2 semaphore(%run_scoped3A : memref<!tpu.dma_semaphore, #tpu.memory_space<semaphore_mem>>) src(%arg8 : memref<128x16xf32, #tpu.memory_space<vmem>>) dst(%dma_wait3A_59 : memref<128x16xf32, #tpu.memory_space<vmem_shared>>)
      tpu.yield
    }) : () -> ()
    %mul3A_15 = arith.constant 640 : i32
    %mul3A_16 = arith.muli %arg1, %mul3A_15 : i32
    %add3A_17 = arith.constant 256 : i32
    %add3A_18 = arith.addi %mul3A_16, %add3A_17 : i32
    "tpu.region"() ({
      %run_scoped3A = tpu.sem_alloc : memref<!tpu.dma_semaphore, #tpu.memory_space<semaphore_mem>>
      %dma_start3A = arith.constant 0 : i32
      %dma_start3A_54 = tpu.memref_slice %arg9[%add3A_18, %dma_start3A] : memref<10240x16xf32, #tpu.memory_space<vmem_shared>> -> memref<128x16xf32, #tpu.memory_space<vmem_shared>>
      %dma_start3A_55 = arith.constant 0 : i32
      %dma_start3A_56 = tpu.memref_slice %arg9[%add3A_18, %dma_start3A_55] : memref<10240x16xf32, #tpu.memory_space<vmem_shared>> -> memref<128x16xf32, #tpu.memory_space<vmem_shared>>
      tpu.enqueue_dma source(%arg8 : memref<128x16xf32, #tpu.memory_space<vmem>>) target(%dma_start3A_56 : memref<128x16xf32, #tpu.memory_space<vmem_shared>>) target_semaphore(%run_scoped3A : memref<!tpu.dma_semaphore, #tpu.memory_space<semaphore_mem>>)
      %dma_wait3A = arith.constant 0 : i32
      %dma_wait3A_57 = tpu.memref_slice %arg9[%add3A_18, %dma_wait3A] : memref<10240x16xf32, #tpu.memory_space<vmem_shared>> -> memref<128x16xf32, #tpu.memory_space<vmem_shared>>
      %dma_wait3A_58 = arith.constant 0 : i32
      %dma_wait3A_59 = tpu.memref_slice %arg9[%add3A_18, %dma_wait3A_58] : memref<10240x16xf32, #tpu.memory_space<vmem_shared>> -> memref<128x16xf32, #tpu.memory_space<vmem_shared>>
      tpu.wait_dma2 semaphore(%run_scoped3A : memref<!tpu.dma_semaphore, #tpu.memory_space<semaphore_mem>>) src(%arg8 : memref<128x16xf32, #tpu.memory_space<vmem>>) dst(%dma_wait3A_59 : memref<128x16xf32, #tpu.memory_space<vmem_shared>>)
      tpu.yield
    }) : () -> ()
    %mul3A_19 = arith.constant 640 : i32
    %mul3A_20 = arith.muli %arg1, %mul3A_19 : i32
    %add3A_21 = arith.constant 384 : i32
    %add3A_22 = arith.addi %mul3A_20, %add3A_21 : i32
    "tpu.region"() ({
      %run_scoped3A = tpu.sem_alloc : memref<!tpu.dma_semaphore, #tpu.memory_space<semaphore_mem>>
      %dma_start3A = arith.constant 0 : i32
      %dma_start3A_54 = tpu.memref_slice %arg9[%add3A_22, %dma_start3A] : memref<10240x16xf32, #tpu.memory_space<vmem_shared>> -> memref<128x16xf32, #tpu.memory_space<vmem_shared>>
      %dma_start3A_55 = arith.constant 0 : i32
      %dma_start3A_56 = tpu.memref_slice %arg9[%add3A_22, %dma_start3A_55] : memref<10240x16xf32, #tpu.memory_space<vmem_shared>> -> memref<128x16xf32, #tpu.memory_space<vmem_shared>>
      tpu.enqueue_dma source(%arg8 : memref<128x16xf32, #tpu.memory_space<vmem>>) target(%dma_start3A_56 : memref<128x16xf32, #tpu.memory_space<vmem_shared>>) target_semaphore(%run_scoped3A : memref<!tpu.dma_semaphore, #tpu.memory_space<semaphore_mem>>)
      %dma_wait3A = arith.constant 0 : i32
      %dma_wait3A_57 = tpu.memref_slice %arg9[%add3A_22, %dma_wait3A] : memref<10240x16xf32, #tpu.memory_space<vmem_shared>> -> memref<128x16xf32, #tpu.memory_space<vmem_shared>>
      %dma_wait3A_58 = arith.constant 0 : i32
      %dma_wait3A_59 = tpu.memref_slice %arg9[%add3A_22, %dma_wait3A_58] : memref<10240x16xf32, #tpu.memory_space<vmem_shared>> -> memref<128x16xf32, #tpu.memory_space<vmem_shared>>
      tpu.wait_dma2 semaphore(%run_scoped3A : memref<!tpu.dma_semaphore, #tpu.memory_space<semaphore_mem>>) src(%arg8 : memref<128x16xf32, #tpu.memory_space<vmem>>) dst(%dma_wait3A_59 : memref<128x16xf32, #tpu.memory_space<vmem_shared>>)
      tpu.yield
    }) : () -> ()
    %mul3A_23 = arith.constant 640 : i32
    %mul3A_24 = arith.muli %arg1, %mul3A_23 : i32
    %add3A_25 = arith.constant 512 : i32
    %add3A_26 = arith.addi %mul3A_24, %add3A_25 : i32
    "tpu.region"() ({
      %run_scoped3A = tpu.sem_alloc : memref<!tpu.dma_semaphore, #tpu.memory_space<semaphore_mem>>
      %dma_start3A = arith.constant 0 : i32
      %dma_start3A_54 = tpu.memref_slice %arg9[%add3A_26, %dma_start3A] : memref<10240x16xf32, #tpu.memory_space<vmem_shared>> -> memref<128x16xf32, #tpu.memory_space<vmem_shared>>
      %dma_start3A_55 = arith.constant 0 : i32
      %dma_start3A_56 = tpu.memref_slice %arg9[%add3A_26, %dma_start3A_55] : memref<10240x16xf32, #tpu.memory_space<vmem_shared>> -> memref<128x16xf32, #tpu.memory_space<vmem_shared>>
      tpu.enqueue_dma source(%arg8 : memref<128x16xf32, #tpu.memory_space<vmem>>) target(%dma_start3A_56 : memref<128x16xf32, #tpu.memory_space<vmem_shared>>) target_semaphore(%run_scoped3A : memref<!tpu.dma_semaphore, #tpu.memory_space<semaphore_mem>>)
      %dma_wait3A = arith.constant 0 : i32
      %dma_wait3A_57 = tpu.memref_slice %arg9[%add3A_26, %dma_wait3A] : memref<10240x16xf32, #tpu.memory_space<vmem_shared>> -> memref<128x16xf32, #tpu.memory_space<vmem_shared>>
      %dma_wait3A_58 = arith.constant 0 : i32
      %dma_wait3A_59 = tpu.memref_slice %arg9[%add3A_26, %dma_wait3A_58] : memref<10240x16xf32, #tpu.memory_space<vmem_shared>> -> memref<128x16xf32, #tpu.memory_space<vmem_shared>>
      tpu.wait_dma2 semaphore(%run_scoped3A : memref<!tpu.dma_semaphore, #tpu.memory_space<semaphore_mem>>) src(%arg8 : memref<128x16xf32, #tpu.memory_space<vmem>>) dst(%dma_wait3A_59 : memref<128x16xf32, #tpu.memory_space<vmem_shared>>)
      tpu.yield
    }) : () -> ()
    %barrier3A = arith.constant 0 : index
    tpu.barrier barrier_id(%barrier3A)
    %scan3A_27 = arith.constant 0 : i32
    %scan3A_28 = arith.constant 0 : i32
    %scan3A_29 = arith.constant 80 : i32
    %scan3A_30 = arith.addi %scan3A_28, %scan3A_29 : i32
    %scan3A_31 = arith.constant 1 : i32
    scf.for %scan3A_54 = %scan3A_28 to %scan3A_30 step %scan3A_31  : i32 {
      %dma_start3A = arith.constant 0 : i32
      %dma_start3A_55 = tpu.memref_slice %arg6[%scan3A_54, %dma_start3A] : memref<80x128xi32, #tpu.memory_space<vmem>> -> memref<1x128xi32, #tpu.memory_space<vmem>>
      %dma_start3A_56 = tpu.memref_squeeze %dma_start3A_55 : memref<1x128xi32, #tpu.memory_space<vmem>> -> memref<128xi32, #tpu.memory_space<vmem>>
      %dma_start3A_57 = arith.constant 0 : i32
      %dma_start3A_58 = arith.constant 0 : i32
      %dma_start3A_59 = tpu.memref_slice %arg2[%dma_start3A_57, %dma_start3A_58] : memref<10240x16xf32, #tpu.memory_space<hbm>> -> memref<10240x16xf32, #tpu.memory_space<hbm>>
      tpu.enqueue_indirect_dma source(%dma_start3A_59 : memref<10240x16xf32, #tpu.memory_space<hbm>>) target(%arg8 : memref<128x16xf32, #tpu.memory_space<vmem>>) offsets(%dma_start3A_56 : memref<128xi32, #tpu.memory_space<vmem>>) semaphore(%arg10 : memref<!tpu.dma_semaphore, #tpu.memory_space<semaphore_mem>>)
      %dma_wait3A = arith.constant 0 : i32
      %dma_wait3A_60 = tpu.memref_slice %arg6[%scan3A_54, %dma_wait3A] : memref<80x128xi32, #tpu.memory_space<vmem>> -> memref<1x128xi32, #tpu.memory_space<vmem>>
      %dma_wait3A_61 = tpu.memref_squeeze %dma_wait3A_60 : memref<1x128xi32, #tpu.memory_space<vmem>> -> memref<128xi32, #tpu.memory_space<vmem>>
      %dma_wait3A_62 = arith.constant 0 : i32
      %dma_wait3A_63 = arith.constant 0 : i32
      %dma_wait3A_64 = tpu.memref_slice %arg2[%dma_wait3A_62, %dma_wait3A_63] : memref<10240x16xf32, #tpu.memory_space<hbm>> -> memref<10240x16xf32, #tpu.memory_space<hbm>>
      tpu.wait_indirect_dma semaphore(%arg10 : memref<!tpu.dma_semaphore, #tpu.memory_space<semaphore_mem>>) src(%dma_wait3A_64 : memref<10240x16xf32, #tpu.memory_space<hbm>>) dst(%arg8 : memref<128x16xf32, #tpu.memory_space<vmem>>)
      "tpu.region"() ({
        %run_scoped3A = tpu.sem_alloc : memref<!tpu.dma_semaphore, #tpu.memory_space<semaphore_mem>>
        %dma_start3A_65 = arith.constant 0 : i32
        %dma_start3A_66 = tpu.memref_slice %arg7[%scan3A_54, %dma_start3A_65] : memref<80x128xi32, #tpu.memory_space<vmem>> -> memref<1x128xi32, #tpu.memory_space<vmem>>
        %dma_start3A_67 = tpu.memref_squeeze %dma_start3A_66 : memref<1x128xi32, #tpu.memory_space<vmem>> -> memref<128xi32, #tpu.memory_space<vmem>>
        %dma_start3A_68 = arith.constant 0 : i32
        %dma_start3A_69 = arith.constant 0 : i32
        %dma_start3A_70 = tpu.memref_slice %arg9[%dma_start3A_68, %dma_start3A_69] : memref<10240x16xf32, #tpu.memory_space<vmem_shared>> -> memref<10240x16xf32, #tpu.memory_space<vmem_shared>>
        tpu.enqueue_indirect_dma source(%arg8 : memref<128x16xf32, #tpu.memory_space<vmem>>) target(%dma_start3A_70 : memref<10240x16xf32, #tpu.memory_space<vmem_shared>>) offsets(%dma_start3A_67 : memref<128xi32, #tpu.memory_space<vmem>>) semaphore(%run_scoped3A : memref<!tpu.dma_semaphore, #tpu.memory_space<semaphore_mem>>) {add = true}
        %dma_wait3A_71 = arith.constant 0 : i32
        %dma_wait3A_72 = tpu.memref_slice %arg7[%scan3A_54, %dma_wait3A_71] : memref<80x128xi32, #tpu.memory_space<vmem>> -> memref<1x128xi32, #tpu.memory_space<vmem>>
        %dma_wait3A_73 = tpu.memref_squeeze %dma_wait3A_72 : memref<1x128xi32, #tpu.memory_space<vmem>> -> memref<128xi32, #tpu.memory_space<vmem>>
        %dma_wait3A_74 = arith.constant 0 : i32
        %dma_wait3A_75 = arith.constant 0 : i32
        %dma_wait3A_76 = tpu.memref_slice %arg9[%dma_wait3A_74, %dma_wait3A_75] : memref<10240x16xf32, #tpu.memory_space<vmem_shared>> -> memref<10240x16xf32, #tpu.memory_space<vmem_shared>>
        tpu.wait_indirect_dma semaphore(%run_scoped3A : memref<!tpu.dma_semaphore, #tpu.memory_space<semaphore_mem>>) src(%arg8 : memref<128x16xf32, #tpu.memory_space<vmem>>) dst(%dma_wait3A_76 : memref<10240x16xf32, #tpu.memory_space<vmem_shared>>)
        tpu.yield
      }) : () -> ()
    }
    %scan3A_32 = arith.constant 80 : i32
    %barrier3A_33 = arith.constant 0 : index
    tpu.barrier barrier_id(%barrier3A_33)
    %mul3A_34 = arith.constant 640 : i32
    %mul3A_35 = arith.muli %arg1, %mul3A_34 : i32
    %add3A_36 = arith.constant 0 : i32
    %add3A_37 = arith.addi %mul3A_35, %add3A_36 : i32
    "tpu.region"() ({
      %run_scoped3A = tpu.sem_alloc : memref<!tpu.dma_semaphore, #tpu.memory_space<semaphore_mem>>
      %dma_start3A = arith.constant 0 : i32
      %dma_start3A_54 = tpu.memref_slice %arg5[%arg0, %add3A_37, %dma_start3A] : memref<2x10240x16xf32, #tpu.memory_space<hbm>> -> memref<1x128x16xf32, #tpu.memory_space<hbm>>
      %dma_start3A_55 = tpu.memref_squeeze %dma_start3A_54 : memref<1x128x16xf32, #tpu.memory_space<hbm>> -> memref<128x16xf32, #tpu.memory_space<hbm>>
      %dma_start3A_56 = arith.constant 0 : i32
      %dma_start3A_57 = tpu.memref_slice %arg9[%add3A_37, %dma_start3A_56] : memref<10240x16xf32, #tpu.memory_space<vmem_shared>> -> memref<128x16xf32, #tpu.memory_space<vmem_shared>>
      tpu.enqueue_dma source(%dma_start3A_57 : memref<128x16xf32, #tpu.memory_space<vmem_shared>>) target(%dma_start3A_55 : memref<128x16xf32, #tpu.memory_space<hbm>>) target_semaphore(%run_scoped3A : memref<!tpu.dma_semaphore, #tpu.memory_space<semaphore_mem>>)
      %dma_wait3A = arith.constant 0 : i32
      %dma_wait3A_58 = tpu.memref_slice %arg5[%arg0, %add3A_37, %dma_wait3A] : memref<2x10240x16xf32, #tpu.memory_space<hbm>> -> memref<1x128x16xf32, #tpu.memory_space<hbm>>
      %dma_wait3A_59 = tpu.memref_squeeze %dma_wait3A_58 : memref<1x128x16xf32, #tpu.memory_space<hbm>> -> memref<128x16xf32, #tpu.memory_space<hbm>>
      %dma_wait3A_60 = arith.constant 0 : i32
      %dma_wait3A_61 = tpu.memref_slice %arg9[%add3A_37, %dma_wait3A_60] : memref<10240x16xf32, #tpu.memory_space<vmem_shared>> -> memref<128x16xf32, #tpu.memory_space<vmem_shared>>
      tpu.wait_dma2 semaphore(%run_scoped3A : memref<!tpu.dma_semaphore, #tpu.memory_space<semaphore_mem>>) src(%dma_wait3A_61 : memref<128x16xf32, #tpu.memory_space<vmem_shared>>) dst(%dma_wait3A_59 : memref<128x16xf32, #tpu.memory_space<hbm>>)
      tpu.yield
    }) : () -> ()
    %mul3A_38 = arith.constant 640 : i32
    %mul3A_39 = arith.muli %arg1, %mul3A_38 : i32
    %add3A_40 = arith.constant 128 : i32
    %add3A_41 = arith.addi %mul3A_39, %add3A_40 : i32
    "tpu.region"() ({
      %run_scoped3A = tpu.sem_alloc : memref<!tpu.dma_semaphore, #tpu.memory_space<semaphore_mem>>
      %dma_start3A = arith.constant 0 : i32
      %dma_start3A_54 = tpu.memref_slice %arg5[%arg0, %add3A_41, %dma_start3A] : memref<2x10240x16xf32, #tpu.memory_space<hbm>> -> memref<1x128x16xf32, #tpu.memory_space<hbm>>
      %dma_start3A_55 = tpu.memref_squeeze %dma_start3A_54 : memref<1x128x16xf32, #tpu.memory_space<hbm>> -> memref<128x16xf32, #tpu.memory_space<hbm>>
      %dma_start3A_56 = arith.constant 0 : i32
      %dma_start3A_57 = tpu.memref_slice %arg9[%add3A_41, %dma_start3A_56] : memref<10240x16xf32, #tpu.memory_space<vmem_shared>> -> memref<128x16xf32, #tpu.memory_space<vmem_shared>>
      tpu.enqueue_dma source(%dma_start3A_57 : memref<128x16xf32, #tpu.memory_space<vmem_shared>>) target(%dma_start3A_55 : memref<128x16xf32, #tpu.memory_space<hbm>>) target_semaphore(%run_scoped3A : memref<!tpu.dma_semaphore, #tpu.memory_space<semaphore_mem>>)
      %dma_wait3A = arith.constant 0 : i32
      %dma_wait3A_58 = tpu.memref_slice %arg5[%arg0, %add3A_41, %dma_wait3A] : memref<2x10240x16xf32, #tpu.memory_space<hbm>> -> memref<1x128x16xf32, #tpu.memory_space<hbm>>
      %dma_wait3A_59 = tpu.memref_squeeze %dma_wait3A_58 : memref<1x128x16xf32, #tpu.memory_space<hbm>> -> memref<128x16xf32, #tpu.memory_space<hbm>>
      %dma_wait3A_60 = arith.constant 0 : i32
      %dma_wait3A_61 = tpu.memref_slice %arg9[%add3A_41, %dma_wait3A_60] : memref<10240x16xf32, #tpu.memory_space<vmem_shared>> -> memref<128x16xf32, #tpu.memory_space<vmem_shared>>
      tpu.wait_dma2 semaphore(%run_scoped3A : memref<!tpu.dma_semaphore, #tpu.memory_space<semaphore_mem>>) src(%dma_wait3A_61 : memref<128x16xf32, #tpu.memory_space<vmem_shared>>) dst(%dma_wait3A_59 : memref<128x16xf32, #tpu.memory_space<hbm>>)
      tpu.yield
    }) : () -> ()
    %mul3A_42 = arith.constant 640 : i32
    %mul3A_43 = arith.muli %arg1, %mul3A_42 : i32
    %add3A_44 = arith.constant 256 : i32
    %add3A_45 = arith.addi %mul3A_43, %add3A_44 : i32
    "tpu.region"() ({
      %run_scoped3A = tpu.sem_alloc : memref<!tpu.dma_semaphore, #tpu.memory_space<semaphore_mem>>
      %dma_start3A = arith.constant 0 : i32
      %dma_start3A_54 = tpu.memref_slice %arg5[%arg0, %add3A_45, %dma_start3A] : memref<2x10240x16xf32, #tpu.memory_space<hbm>> -> memref<1x128x16xf32, #tpu.memory_space<hbm>>
      %dma_start3A_55 = tpu.memref_squeeze %dma_start3A_54 : memref<1x128x16xf32, #tpu.memory_space<hbm>> -> memref<128x16xf32, #tpu.memory_space<hbm>>
      %dma_start3A_56 = arith.constant 0 : i32
      %dma_start3A_57 = tpu.memref_slice %arg9[%add3A_45, %dma_start3A_56] : memref<10240x16xf32, #tpu.memory_space<vmem_shared>> -> memref<128x16xf32, #tpu.memory_space<vmem_shared>>
      tpu.enqueue_dma source(%dma_start3A_57 : memref<128x16xf32, #tpu.memory_space<vmem_shared>>) target(%dma_start3A_55 : memref<128x16xf32, #tpu.memory_space<hbm>>) target_semaphore(%run_scoped3A : memref<!tpu.dma_semaphore, #tpu.memory_space<semaphore_mem>>)
      %dma_wait3A = arith.constant 0 : i32
      %dma_wait3A_58 = tpu.memref_slice %arg5[%arg0, %add3A_45, %dma_wait3A] : memref<2x10240x16xf32, #tpu.memory_space<hbm>> -> memref<1x128x16xf32, #tpu.memory_space<hbm>>
      %dma_wait3A_59 = tpu.memref_squeeze %dma_wait3A_58 : memref<1x128x16xf32, #tpu.memory_space<hbm>> -> memref<128x16xf32, #tpu.memory_space<hbm>>
      %dma_wait3A_60 = arith.constant 0 : i32
      %dma_wait3A_61 = tpu.memref_slice %arg9[%add3A_45, %dma_wait3A_60] : memref<10240x16xf32, #tpu.memory_space<vmem_shared>> -> memref<128x16xf32, #tpu.memory_space<vmem_shared>>
      tpu.wait_dma2 semaphore(%run_scoped3A : memref<!tpu.dma_semaphore, #tpu.memory_space<semaphore_mem>>) src(%dma_wait3A_61 : memref<128x16xf32, #tpu.memory_space<vmem_shared>>) dst(%dma_wait3A_59 : memref<128x16xf32, #tpu.memory_space<hbm>>)
      tpu.yield
    }) : () -> ()
    %mul3A_46 = arith.constant 640 : i32
    %mul3A_47 = arith.muli %arg1, %mul3A_46 : i32
    %add3A_48 = arith.constant 384 : i32
    %add3A_49 = arith.addi %mul3A_47, %add3A_48 : i32
    "tpu.region"() ({
      %run_scoped3A = tpu.sem_alloc : memref<!tpu.dma_semaphore, #tpu.memory_space<semaphore_mem>>
      %dma_start3A = arith.constant 0 : i32
      %dma_start3A_54 = tpu.memref_slice %arg5[%arg0, %add3A_49, %dma_start3A] : memref<2x10240x16xf32, #tpu.memory_space<hbm>> -> memref<1x128x16xf32, #tpu.memory_space<hbm>>
      %dma_start3A_55 = tpu.memref_squeeze %dma_start3A_54 : memref<1x128x16xf32, #tpu.memory_space<hbm>> -> memref<128x16xf32, #tpu.memory_space<hbm>>
      %dma_start3A_56 = arith.constant 0 : i32
      %dma_start3A_57 = tpu.memref_slice %arg9[%add3A_49, %dma_start3A_56] : memref<10240x16xf32, #tpu.memory_space<vmem_shared>> -> memref<128x16xf32, #tpu.memory_space<vmem_shared>>
      tpu.enqueue_dma source(%dma_start3A_57 : memref<128x16xf32, #tpu.memory_space<vmem_shared>>) target(%dma_start3A_55 : memref<128x16xf32, #tpu.memory_space<hbm>>) target_semaphore(%run_scoped3A : memref<!tpu.dma_semaphore, #tpu.memory_space<semaphore_mem>>)
      %dma_wait3A = arith.constant 0 : i32
      %dma_wait3A_58 = tpu.memref_slice %arg5[%arg0, %add3A_49, %dma_wait3A] : memref<2x10240x16xf32, #tpu.memory_space<hbm>> -> memref<1x128x16xf32, #tpu.memory_space<hbm>>
      %dma_wait3A_59 = tpu.memref_squeeze %dma_wait3A_58 : memref<1x128x16xf32, #tpu.memory_space<hbm>> -> memref<128x16xf32, #tpu.memory_space<hbm>>
      %dma_wait3A_60 = arith.constant 0 : i32
      %dma_wait3A_61 = tpu.memref_slice %arg9[%add3A_49, %dma_wait3A_60] : memref<10240x16xf32, #tpu.memory_space<vmem_shared>> -> memref<128x16xf32, #tpu.memory_space<vmem_shared>>
      tpu.wait_dma2 semaphore(%run_scoped3A : memref<!tpu.dma_semaphore, #tpu.memory_space<semaphore_mem>>) src(%dma_wait3A_61 : memref<128x16xf32, #tpu.memory_space<vmem_shared>>) dst(%dma_wait3A_59 : memref<128x16xf32, #tpu.memory_space<hbm>>)
      tpu.yield
    }) : () -> ()
    %mul3A_50 = arith.constant 640 : i32
    %mul3A_51 = arith.muli %arg1, %mul3A_50 : i32
    %add3A_52 = arith.constant 512 : i32
    %add3A_53 = arith.addi %mul3A_51, %add3A_52 : i32
    "tpu.region"() ({
      %run_scoped3A = tpu.sem_alloc : memref<!tpu.dma_semaphore, #tpu.memory_space<semaphore_mem>>
      %dma_start3A = arith.constant 0 : i32
      %dma_start3A_54 = tpu.memref_slice %arg5[%arg0, %add3A_53, %dma_start3A] : memref<2x10240x16xf32, #tpu.memory_space<hbm>> -> memref<1x128x16xf32, #tpu.memory_space<hbm>>
      %dma_start3A_55 = tpu.memref_squeeze %dma_start3A_54 : memref<1x128x16xf32, #tpu.memory_space<hbm>> -> memref<128x16xf32, #tpu.memory_space<hbm>>
      %dma_start3A_56 = arith.constant 0 : i32
      %dma_start3A_57 = tpu.memref_slice %arg9[%add3A_53, %dma_start3A_56] : memref<10240x16xf32, #tpu.memory_space<vmem_shared>> -> memref<128x16xf32, #tpu.memory_space<vmem_shared>>
      tpu.enqueue_dma source(%dma_start3A_57 : memref<128x16xf32, #tpu.memory_space<vmem_shared>>) target(%dma_start3A_55 : memref<128x16xf32, #tpu.memory_space<hbm>>) target_semaphore(%run_scoped3A : memref<!tpu.dma_semaphore, #tpu.memory_space<semaphore_mem>>)
      %dma_wait3A = arith.constant 0 : i32
      %dma_wait3A_58 = tpu.memref_slice %arg5[%arg0, %add3A_53, %dma_wait3A] : memref<2x10240x16xf32, #tpu.memory_space<hbm>> -> memref<1x128x16xf32, #tpu.memory_space<hbm>>
      %dma_wait3A_59 = tpu.memref_squeeze %dma_wait3A_58 : memref<1x128x16xf32, #tpu.memory_space<hbm>> -> memref<128x16xf32, #tpu.memory_space<hbm>>
      %dma_wait3A_60 = arith.constant 0 : i32
      %dma_wait3A_61 = tpu.memref_slice %arg9[%add3A_53, %dma_wait3A_60] : memref<10240x16xf32, #tpu.memory_space<vmem_shared>> -> memref<128x16xf32, #tpu.memory_space<vmem_shared>>
      tpu.wait_dma2 semaphore(%run_scoped3A : memref<!tpu.dma_semaphore, #tpu.memory_space<semaphore_mem>>) src(%dma_wait3A_61 : memref<128x16xf32, #tpu.memory_space<vmem_shared>>) dst(%dma_wait3A_59 : memref<128x16xf32, #tpu.memory_space<hbm>>)
      tpu.yield
    }) : () -> ()
    return
  }
}

module attributes {stable_mosaic.version = 14 : i64} {
  func.func @_d1(%arg0: i32, %arg1: memref<2048x128xf32, #tpu.memory_space<vmem>>, %arg2: memref<128x128xf32, #tpu.memory_space<vmem>>, %arg3: memref<128x128xf32, #tpu.memory_space<vmem>>, %arg4: memref<128xf32, #tpu.memory_space<vmem>>, %arg5: memref<2048x144xf32, #tpu.memory_space<vmem>>, %arg6: memref<2048x128xf32, #tpu.memory_space<vmem>>) attributes {dimension_semantics = [#tpu.dimension_semantics<arbitrary>], iteration_bounds = array<i64: 5>, scalar_prefetch = 0 : i64, scratch_operands = 0 : i64, tpu.core_type = #tpu.core_type<tc>, window_params = [{transform_indices = @transform_0, window_bounds = array<i64: 2048, 128>}, {pipeline_mode = #tpu.pipeline_mode<synchronous>, transform_indices = @transform_1, window_bounds = array<i64: 128, 128>}, {pipeline_mode = #tpu.pipeline_mode<synchronous>, transform_indices = @transform_2, window_bounds = array<i64: 128, 128>}, {pipeline_mode = #tpu.pipeline_mode<synchronous>, transform_indices = @transform_3, window_bounds = array<i64: 128>}, {transform_indices = @transform_4, window_bounds = array<i64: 2048, 144>}, {transform_indices = @transform_5, window_bounds = array<i64: 2048, 128>}]} {
    %get3A = arith.constant 0 : index
    %get3A_0 = arith.constant 0 : index
    %get3A_1 = vector.load %arg1[%get3A, %get3A_0] : memref<2048x128xf32, #tpu.memory_space<vmem>>, vector<2048x128xf32>
    %get3A_2 = arith.constant 0 : index
    %get3A_3 = arith.constant 0 : index
    %get3A_4 = vector.load %arg2[%get3A_2, %get3A_3] : memref<128x128xf32, #tpu.memory_space<vmem>>, vector<128x128xf32>
    %dot_general3A = arith.constant dense<0.000000e+00> : vector<2048x128xf32>
    %dot_general3A_5 = tpu.matmul %get3A_1, %get3A_4, %dot_general3A {dimension_numbers = #tpu.dot_dimension_numbers<[1], [0], [0], [1], [0, 0, 1, 1], [], []>, precision = #tpu.contract_precision<fp32>, transpose_lhs_hint = false} : vector<2048x128xf32>, vector<128x128xf32>, vector<2048x128xf32> -> vector<2048x128xf32>
    %broadcast_in_dim3A = arith.constant 1.000000e+00 : f32
    %broadcast_in_dim3A_6 = vector.broadcast %broadcast_in_dim3A : f32 to vector<2048x16xf32>
    %concatenate3A = tpu.concatenate %dot_general3A_5, %broadcast_in_dim3A_6 in 1 : vector<2048x128xf32>, vector<2048x16xf32> -> vector<2048x144xf32>
    %swap3A = arith.constant 0 : index
    %swap3A_7 = arith.constant 0 : index
    %swap3A_8 = vector.load %arg5[%swap3A, %swap3A_7] : memref<2048x144xf32, #tpu.memory_space<vmem>>, vector<2048x144xf32>
    tpu.vector_store %arg5[%swap3A, %swap3A_7], %concatenate3A {strides = array<i32>} : memref<2048x144xf32, #tpu.memory_space<vmem>>, vector<2048x144xf32>,
    %get3A_9 = arith.constant 0 : index
    %get3A_10 = arith.constant 0 : index
    %get3A_11 = vector.load %arg3[%get3A_9, %get3A_10] : memref<128x128xf32, #tpu.memory_space<vmem>>, vector<128x128xf32>
    %dot_general3A_12 = arith.constant dense<0.000000e+00> : vector<2048x128xf32>
    %dot_general3A_13 = tpu.matmul %get3A_1, %get3A_11, %dot_general3A_12 {dimension_numbers = #tpu.dot_dimension_numbers<[1], [0], [0], [1], [0, 0, 1, 1], [], []>, precision = #tpu.contract_precision<fp32>, transpose_lhs_hint = false} : vector<2048x128xf32>, vector<128x128xf32>, vector<2048x128xf32> -> vector<2048x128xf32>
    %get3A_14 = arith.constant 0 : index
    %get3A_15 = vector.load %arg4[%get3A_14] : memref<128xf32, #tpu.memory_space<vmem>>, vector<128xf32>
    %broadcast_in_dim3A_16 = vector.shape_cast %get3A_15 : vector<128xf32> to vector<1x128xf32>
    %add3A = vector.broadcast %broadcast_in_dim3A_16 : vector<1x128xf32> to vector<2048x128xf32>
    %add3A_17 = arith.addf %dot_general3A_13, %add3A : vector<2048x128xf32>
    %swap3A_18 = arith.constant 0 : index
    %swap3A_19 = arith.constant 0 : index
    %swap3A_20 = vector.load %arg6[%swap3A_18, %swap3A_19] : memref<2048x128xf32, #tpu.memory_space<vmem>>, vector<2048x128xf32>
    tpu.vector_store %arg6[%swap3A_18, %swap3A_19], %add3A_17 {strides = array<i32>} : memref<2048x128xf32, #tpu.memory_space<vmem>>, vector<2048x128xf32>,
    return
  }
  func.func @transform_0(%arg0: i32) -> (i32, i32) {
    %c0_i32 = arith.constant 0 : i32
    %c0_i32_0 = arith.constant 0 : i32
    return %arg0, %c0_i32 : i32, i32
  }
  func.func @transform_1(%arg0: i32) -> (i32, i32) {
    %c0_i32 = arith.constant 0 : i32
    %c0_i32_0 = arith.constant 0 : i32
    %c0_i32_1 = arith.constant 0 : i32
    return %c0_i32, %c0_i32_0 : i32, i32
  }
  func.func @transform_2(%arg0: i32) -> (i32, i32) {
    %c0_i32 = arith.constant 0 : i32
    %c0_i32_0 = arith.constant 0 : i32
    %c0_i32_1 = arith.constant 0 : i32
    return %c0_i32, %c0_i32_0 : i32, i32
  }
  func.func @transform_3(%arg0: i32) -> i32 {
    %c0_i32 = arith.constant 0 : i32
    %c0_i32_0 = arith.constant 0 : i32
    return %c0_i32 : i32
  }
  func.func @transform_4(%arg0: i32) -> (i32, i32) {
    %c0_i32 = arith.constant 0 : i32
    %c0_i32_0 = arith.constant 0 : i32
    return %arg0, %c0_i32 : i32, i32
  }
  func.func @transform_5(%arg0: i32) -> (i32, i32) {
    %c0_i32 = arith.constant 0 : i32
    %c0_i32_0 = arith.constant 0 : i32
    return %arg0, %c0_i32 : i32, i32
  }
}

module attributes {stable_mosaic.version = 14 : i64} {
  func.func @_d2(%arg0: i32, %arg1: memref<2x2048x144xf32, #tpu.memory_space<vmem>>, %arg2: memref<2048x128xf32, #tpu.memory_space<vmem>>, %arg3: memref<128x128xf32, #tpu.memory_space<vmem>>, %arg4: memref<128x128xf32, #tpu.memory_space<vmem>>, %arg5: memref<128xf32, #tpu.memory_space<vmem>>, %arg6: memref<2048x128xf32, #tpu.memory_space<vmem>>, %arg7: memref<2048x128xf32, #tpu.memory_space<vmem>>, %arg8: memref<2048x1xf32, #tpu.memory_space<vmem>>) attributes {dimension_semantics = [#tpu.dimension_semantics<arbitrary>], iteration_bounds = array<i64: 5>, scalar_prefetch = 0 : i64, scratch_operands = 0 : i64, tpu.core_type = #tpu.core_type<tc>, window_params = [{transform_indices = @transform_0, window_bounds = array<i64: 2, 2048, 144>}, {transform_indices = @transform_1, window_bounds = array<i64: 2048, 128>}, {pipeline_mode = #tpu.pipeline_mode<synchronous>, transform_indices = @transform_2, window_bounds = array<i64: 128, 128>}, {pipeline_mode = #tpu.pipeline_mode<synchronous>, transform_indices = @transform_3, window_bounds = array<i64: 128, 128>}, {pipeline_mode = #tpu.pipeline_mode<synchronous>, transform_indices = @transform_4, window_bounds = array<i64: 128>}, {transform_indices = @transform_5, window_bounds = array<i64: 2048, 128>}, {transform_indices = @transform_6, window_bounds = array<i64: 2048, 128>}, {transform_indices = @transform_7, window_bounds = array<i64: 2048, 1>}]} {
    %get3A = arith.constant 0 : index
    %get3A_0 = arith.constant 0 : index
    %get3A_1 = arith.constant 0 : index
    %get3A_2 = vector.load %arg1[%get3A, %get3A_0, %get3A_1] : memref<2x2048x144xf32, #tpu.memory_space<vmem>>, vector<1x2048x144xf32>
    %get3A_3 = vector.shape_cast %get3A_2 : vector<1x2048x144xf32> to vector<2048x144xf32>
    %get3A_4 = arith.constant 1 : index
    %get3A_5 = arith.constant 0 : index
    %get3A_6 = arith.constant 0 : index
    %get3A_7 = vector.load %arg1[%get3A_4, %get3A_5, %get3A_6] : memref<2x2048x144xf32, #tpu.memory_space<vmem>>, vector<1x2048x144xf32>
    %get3A_8 = vector.shape_cast %get3A_7 : vector<1x2048x144xf32> to vector<2048x144xf32>
    %add3A = arith.addf %get3A_3, %get3A_8 : vector<2048x144xf32>
    %slice3A = vector.extract_strided_slice %add3A {offsets = [0, 128], sizes = [2048, 1], strides = [1, 1]} : vector<2048x144xf32> to vector<2048x1xf32>
    %max3A = arith.constant 1.000000e+00 : f32
    %max3A_9 = vector.broadcast %max3A : f32 to vector<2048x1xf32>
    %max3A_10 = arith.maximumf %slice3A, %max3A_9 : vector<2048x1xf32>
    %div3A = arith.constant 1.000000e+00 : f32
    %div3A_11 = vector.broadcast %div3A : f32 to vector<2048x1xf32>
    %div3A_12 = arith.divf %div3A_11, %max3A_10 : vector<2048x1xf32>
    %slice3A_13 = vector.extract_strided_slice %add3A {offsets = [0, 0], sizes = [2048, 128], strides = [1, 1]} : vector<2048x144xf32> to vector<2048x128xf32>
    %mul3A = vector.broadcast %div3A_12 : vector<2048x1xf32> to vector<2048x128xf32>
    %mul3A_14 = arith.mulf %slice3A_13, %mul3A : vector<2048x128xf32>
    %get3A_15 = arith.constant 0 : index
    %get3A_16 = arith.constant 0 : index
    %get3A_17 = vector.load %arg2[%get3A_15, %get3A_16] : memref<2048x128xf32, #tpu.memory_space<vmem>>, vector<2048x128xf32>
    %add3A_18 = arith.addf %mul3A_14, %get3A_17 : vector<2048x128xf32>
    %max3A_19 = arith.constant 0.000000e+00 : f32
    %max3A_20 = vector.broadcast %max3A_19 : f32 to vector<2048x128xf32>
    %max3A_21 = arith.maximumf %add3A_18, %max3A_20 : vector<2048x128xf32>
    %get3A_22 = arith.constant 0 : index
    %get3A_23 = arith.constant 0 : index
    %get3A_24 = vector.load %arg3[%get3A_22, %get3A_23] : memref<128x128xf32, #tpu.memory_space<vmem>>, vector<128x128xf32>
    %dot_general3A = arith.constant dense<0.000000e+00> : vector<2048x128xf32>
    %dot_general3A_25 = tpu.matmul %max3A_21, %get3A_24, %dot_general3A {dimension_numbers = #tpu.dot_dimension_numbers<[1], [0], [0], [1], [0, 0, 1, 1], [], []>, precision = #tpu.contract_precision<fp32>, transpose_lhs_hint = false} : vector<2048x128xf32>, vector<128x128xf32>, vector<2048x128xf32> -> vector<2048x128xf32>
    %swap3A = arith.constant 0 : index
    %swap3A_26 = arith.constant 0 : index
    %swap3A_27 = vector.load %arg6[%swap3A, %swap3A_26] : memref<2048x128xf32, #tpu.memory_space<vmem>>, vector<2048x128xf32>
    tpu.vector_store %arg6[%swap3A, %swap3A_26], %dot_general3A_25 {strides = array<i32>} : memref<2048x128xf32, #tpu.memory_space<vmem>>, vector<2048x128xf32>,
    %get3A_28 = arith.constant 0 : index
    %get3A_29 = arith.constant 0 : index
    %get3A_30 = vector.load %arg4[%get3A_28, %get3A_29] : memref<128x128xf32, #tpu.memory_space<vmem>>, vector<128x128xf32>
    %dot_general3A_31 = arith.constant dense<0.000000e+00> : vector<2048x128xf32>
    %dot_general3A_32 = tpu.matmul %max3A_21, %get3A_30, %dot_general3A_31 {dimension_numbers = #tpu.dot_dimension_numbers<[1], [0], [0], [1], [0, 0, 1, 1], [], []>, precision = #tpu.contract_precision<fp32>, transpose_lhs_hint = false} : vector<2048x128xf32>, vector<128x128xf32>, vector<2048x128xf32> -> vector<2048x128xf32>
    %get3A_33 = arith.constant 0 : index
    %get3A_34 = vector.load %arg5[%get3A_33] : memref<128xf32, #tpu.memory_space<vmem>>, vector<128xf32>
    %broadcast_in_dim3A = vector.shape_cast %get3A_34 : vector<128xf32> to vector<1x128xf32>
    %add3A_35 = vector.broadcast %broadcast_in_dim3A : vector<1x128xf32> to vector<2048x128xf32>
    %add3A_36 = arith.addf %dot_general3A_32, %add3A_35 : vector<2048x128xf32>
    %swap3A_37 = arith.constant 0 : index
    %swap3A_38 = arith.constant 0 : index
    %swap3A_39 = vector.load %arg7[%swap3A_37, %swap3A_38] : memref<2048x128xf32, #tpu.memory_space<vmem>>, vector<2048x128xf32>
    tpu.vector_store %arg7[%swap3A_37, %swap3A_38], %add3A_36 {strides = array<i32>} : memref<2048x128xf32, #tpu.memory_space<vmem>>, vector<2048x128xf32>,
    %swap3A_40 = arith.constant 0 : index
    %swap3A_41 = arith.constant 0 : index
    %swap3A_42 = vector.load %arg8[%swap3A_40, %swap3A_41] : memref<2048x1xf32, #tpu.memory_space<vmem>>, vector<2048x1xf32>
    tpu.vector_store %arg8[%swap3A_40, %swap3A_41], %div3A_12 {strides = array<i32>} : memref<2048x1xf32, #tpu.memory_space<vmem>>, vector<2048x1xf32>,
    return
  }
  func.func @transform_0(%arg0: i32) -> (i32, i32, i32) {
    %c0_i32 = arith.constant 0 : i32
    %c0_i32_0 = arith.constant 0 : i32
    %c0_i32_1 = arith.constant 0 : i32
    return %c0_i32, %arg0, %c0_i32_0 : i32, i32, i32
  }
  func.func @transform_1(%arg0: i32) -> (i32, i32) {
    %c0_i32 = arith.constant 0 : i32
    %c0_i32_0 = arith.constant 0 : i32
    return %arg0, %c0_i32 : i32, i32
  }
  func.func @transform_2(%arg0: i32) -> (i32, i32) {
    %c0_i32 = arith.constant 0 : i32
    %c0_i32_0 = arith.constant 0 : i32
    %c0_i32_1 = arith.constant 0 : i32
    return %c0_i32, %c0_i32_0 : i32, i32
  }
  func.func @transform_3(%arg0: i32) -> (i32, i32) {
    %c0_i32 = arith.constant 0 : i32
    %c0_i32_0 = arith.constant 0 : i32
    %c0_i32_1 = arith.constant 0 : i32
    return %c0_i32, %c0_i32_0 : i32, i32
  }
  func.func @transform_4(%arg0: i32) -> i32 {
    %c0_i32 = arith.constant 0 : i32
    %c0_i32_0 = arith.constant 0 : i32
    return %c0_i32 : i32
  }
  func.func @transform_5(%arg0: i32) -> (i32, i32) {
    %c0_i32 = arith.constant 0 : i32
    %c0_i32_0 = arith.constant 0 : i32
    return %arg0, %c0_i32 : i32, i32
  }
  func.func @transform_6(%arg0: i32) -> (i32, i32) {
    %c0_i32 = arith.constant 0 : i32
    %c0_i32_0 = arith.constant 0 : i32
    return %arg0, %c0_i32 : i32, i32
  }
  func.func @transform_7(%arg0: i32) -> (i32, i32) {
    %c0_i32 = arith.constant 0 : i32
    %c0_i32_0 = arith.constant 0 : i32
    return %arg0, %c0_i32 : i32, i32
  }
}

module attributes {stable_mosaic.version = 14 : i64} {
  func.func @_d3(%arg0: i32, %arg1: memref<2x2048x128xf32, #tpu.memory_space<vmem>>, %arg2: memref<2048x128xf32, #tpu.memory_space<vmem>>, %arg3: memref<2048x1xf32, #tpu.memory_space<vmem>>, %arg4: memref<128x1xf32, #tpu.memory_space<vmem>>, %arg5: memref<128x1xf32, #tpu.memory_space<vmem>>, %arg6: memref<1xf32, #tpu.memory_space<vmem>>, %arg7: memref<2048x16xf32, #tpu.memory_space<vmem>>, %arg8: memref<2048x1xf32, #tpu.memory_space<vmem>>) attributes {dimension_semantics = [#tpu.dimension_semantics<arbitrary>], iteration_bounds = array<i64: 5>, scalar_prefetch = 0 : i64, scratch_operands = 0 : i64, tpu.core_type = #tpu.core_type<tc>, window_params = [{transform_indices = @transform_0, window_bounds = array<i64: 2, 2048, 128>}, {transform_indices = @transform_1, window_bounds = array<i64: 2048, 128>}, {transform_indices = @transform_2, window_bounds = array<i64: 2048, 1>}, {pipeline_mode = #tpu.pipeline_mode<synchronous>, transform_indices = @transform_3, window_bounds = array<i64: 128, 1>}, {pipeline_mode = #tpu.pipeline_mode<synchronous>, transform_indices = @transform_4, window_bounds = array<i64: 128, 1>}, {pipeline_mode = #tpu.pipeline_mode<synchronous>, transform_indices = @transform_5, window_bounds = array<i64: 1>}, {transform_indices = @transform_6, window_bounds = array<i64: 2048, 16>}, {transform_indices = @transform_7, window_bounds = array<i64: 2048, 1>}]} {
    %get3A = arith.constant 0 : index
    %get3A_0 = arith.constant 0 : index
    %get3A_1 = arith.constant 0 : index
    %get3A_2 = vector.load %arg1[%get3A, %get3A_0, %get3A_1] : memref<2x2048x128xf32, #tpu.memory_space<vmem>>, vector<1x2048x128xf32>
    %get3A_3 = vector.shape_cast %get3A_2 : vector<1x2048x128xf32> to vector<2048x128xf32>
    %get3A_4 = arith.constant 1 : index
    %get3A_5 = arith.constant 0 : index
    %get3A_6 = arith.constant 0 : index
    %get3A_7 = vector.load %arg1[%get3A_4, %get3A_5, %get3A_6] : memref<2x2048x128xf32, #tpu.memory_space<vmem>>, vector<1x2048x128xf32>
    %get3A_8 = vector.shape_cast %get3A_7 : vector<1x2048x128xf32> to vector<2048x128xf32>
    %add3A = arith.addf %get3A_3, %get3A_8 : vector<2048x128xf32>
    %get3A_9 = arith.constant 0 : index
    %get3A_10 = arith.constant 0 : index
    %get3A_11 = vector.load %arg3[%get3A_9, %get3A_10] : memref<2048x1xf32, #tpu.memory_space<vmem>>, vector<2048x1xf32>
    %mul3A = vector.broadcast %get3A_11 : vector<2048x1xf32> to vector<2048x128xf32>
    %mul3A_12 = arith.mulf %add3A, %mul3A : vector<2048x128xf32>
    %get3A_13 = arith.constant 0 : index
    %get3A_14 = arith.constant 0 : index
    %get3A_15 = vector.load %arg2[%get3A_13, %get3A_14] : memref<2048x128xf32, #tpu.memory_space<vmem>>, vector<2048x128xf32>
    %add3A_16 = arith.addf %mul3A_12, %get3A_15 : vector<2048x128xf32>
    %max3A = arith.constant 0.000000e+00 : f32
    %max3A_17 = vector.broadcast %max3A : f32 to vector<2048x128xf32>
    %max3A_18 = arith.maximumf %add3A_16, %max3A_17 : vector<2048x128xf32>
    %get3A_19 = arith.constant 0 : index
    %get3A_20 = arith.constant 0 : index
    %get3A_21 = vector.load %arg4[%get3A_19, %get3A_20] : memref<128x1xf32, #tpu.memory_space<vmem>>, vector<128x1xf32>
    %dot_general3A = arith.constant dense<0.000000e+00> : vector<2048x1xf32>
    %dot_general3A_22 = tpu.matmul %max3A_18, %get3A_21, %dot_general3A {dimension_numbers = #tpu.dot_dimension_numbers<[1], [0], [0], [1], [0, 0, 1, 1], [], []>, precision = #tpu.contract_precision<fp32>, transpose_lhs_hint = false} : vector<2048x128xf32>, vector<128x1xf32>, vector<2048x1xf32> -> vector<2048x1xf32>
    %broadcast_in_dim3A = vector.shape_cast %dot_general3A_22 : vector<2048x1xf32> to vector<2048x1xf32>
    %broadcast_in_dim3A_23 = vector.broadcast %broadcast_in_dim3A : vector<2048x1xf32> to vector<2048x16xf32>
    %swap3A = arith.constant 0 : index
    %swap3A_24 = arith.constant 0 : index
    %swap3A_25 = vector.load %arg7[%swap3A, %swap3A_24] : memref<2048x16xf32, #tpu.memory_space<vmem>>, vector<2048x16xf32>
    tpu.vector_store %arg7[%swap3A, %swap3A_24], %broadcast_in_dim3A_23 {strides = array<i32>} : memref<2048x16xf32, #tpu.memory_space<vmem>>, vector<2048x16xf32>,
    %get3A_26 = arith.constant 0 : index
    %get3A_27 = arith.constant 0 : index
    %get3A_28 = vector.load %arg5[%get3A_26, %get3A_27] : memref<128x1xf32, #tpu.memory_space<vmem>>, vector<128x1xf32>
    %dot_general3A_29 = arith.constant dense<0.000000e+00> : vector<2048x1xf32>
    %dot_general3A_30 = tpu.matmul %max3A_18, %get3A_28, %dot_general3A_29 {dimension_numbers = #tpu.dot_dimension_numbers<[1], [0], [0], [1], [0, 0, 1, 1], [], []>, precision = #tpu.contract_precision<fp32>, transpose_lhs_hint = false} : vector<2048x128xf32>, vector<128x1xf32>, vector<2048x1xf32> -> vector<2048x1xf32>
    %get3A_31 = arith.constant 0 : index
    %get3A_32 = vector.load %arg6[%get3A_31] : memref<1xf32, #tpu.memory_space<vmem>>, vector<1xf32>
    %broadcast_in_dim3A_33 = vector.shape_cast %get3A_32 : vector<1xf32> to vector<1x1xf32>
    %add3A_34 = vector.broadcast %broadcast_in_dim3A_33 : vector<1x1xf32> to vector<2048x1xf32>
    %add3A_35 = arith.addf %dot_general3A_30, %add3A_34 : vector<2048x1xf32>
    %swap3A_36 = arith.constant 0 : index
    %swap3A_37 = arith.constant 0 : index
    %swap3A_38 = vector.load %arg8[%swap3A_36, %swap3A_37] : memref<2048x1xf32, #tpu.memory_space<vmem>>, vector<2048x1xf32>
    tpu.vector_store %arg8[%swap3A_36, %swap3A_37], %add3A_35 {strides = array<i32>} : memref<2048x1xf32, #tpu.memory_space<vmem>>, vector<2048x1xf32>,
    return
  }
  func.func @transform_0(%arg0: i32) -> (i32, i32, i32) {
    %c0_i32 = arith.constant 0 : i32
    %c0_i32_0 = arith.constant 0 : i32
    %c0_i32_1 = arith.constant 0 : i32
    return %c0_i32, %arg0, %c0_i32_0 : i32, i32, i32
  }
  func.func @transform_1(%arg0: i32) -> (i32, i32) {
    %c0_i32 = arith.constant 0 : i32
    %c0_i32_0 = arith.constant 0 : i32
    return %arg0, %c0_i32 : i32, i32
  }
  func.func @transform_2(%arg0: i32) -> (i32, i32) {
    %c0_i32 = arith.constant 0 : i32
    %c0_i32_0 = arith.constant 0 : i32
    return %arg0, %c0_i32 : i32, i32
  }
  func.func @transform_3(%arg0: i32) -> (i32, i32) {
    %c0_i32 = arith.constant 0 : i32
    %c0_i32_0 = arith.constant 0 : i32
    %c0_i32_1 = arith.constant 0 : i32
    return %c0_i32, %c0_i32_0 : i32, i32
  }
  func.func @transform_4(%arg0: i32) -> (i32, i32) {
    %c0_i32 = arith.constant 0 : i32
    %c0_i32_0 = arith.constant 0 : i32
    %c0_i32_1 = arith.constant 0 : i32
    return %c0_i32, %c0_i32_0 : i32, i32
  }
  func.func @transform_5(%arg0: i32) -> i32 {
    %c0_i32 = arith.constant 0 : i32
    %c0_i32_0 = arith.constant 0 : i32
    return %c0_i32 : i32
  }
  func.func @transform_6(%arg0: i32) -> (i32, i32) {
    %c0_i32 = arith.constant 0 : i32
    %c0_i32_0 = arith.constant 0 : i32
    return %arg0, %c0_i32 : i32, i32
  }
  func.func @transform_7(%arg0: i32) -> (i32, i32) {
    %c0_i32 = arith.constant 0 : i32
    %c0_i32_0 = arith.constant 0 : i32
    return %arg0, %c0_i32 : i32, i32
  }
}

module attributes {stable_mosaic.version = 14 : i64} {
  func.func @_d4(%arg0: i32, %arg1: memref<2x2048x16xf32, #tpu.memory_space<vmem>>, %arg2: memref<2048x1xf32, #tpu.memory_space<vmem>>, %arg3: memref<2048x1xf32, #tpu.memory_space<vmem>>, %arg4: memref<2048xf32, #tpu.memory_space<vmem>>) attributes {dimension_semantics = [#tpu.dimension_semantics<arbitrary>], iteration_bounds = array<i64: 5>, scalar_prefetch = 0 : i64, scratch_operands = 0 : i64, tpu.core_type = #tpu.core_type<tc>, window_params = [{transform_indices = @transform_0, window_bounds = array<i64: 2, 2048, 16>}, {transform_indices = @transform_1, window_bounds = array<i64: 2048, 1>}, {transform_indices = @transform_2, window_bounds = array<i64: 2048, 1>}, {transform_indices = @transform_3, window_bounds = array<i64: 2048>}]} {
    %get3A = arith.constant 0 : index
    %get3A_0 = arith.constant 0 : index
    %get3A_1 = arith.constant 0 : index
    %get3A_2 = vector.load %arg1[%get3A, %get3A_0, %get3A_1] : memref<2x2048x16xf32, #tpu.memory_space<vmem>>, vector<1x2048x1xf32>
    %get3A_3 = vector.shape_cast %get3A_2 : vector<1x2048x1xf32> to vector<2048x1xf32>
    %get3A_4 = arith.constant 1 : index
    %get3A_5 = arith.constant 0 : index
    %get3A_6 = arith.constant 0 : index
    %get3A_7 = vector.load %arg1[%get3A_4, %get3A_5, %get3A_6] : memref<2x2048x16xf32, #tpu.memory_space<vmem>>, vector<1x2048x1xf32>
    %get3A_8 = vector.shape_cast %get3A_7 : vector<1x2048x1xf32> to vector<2048x1xf32>
    %add3A = arith.addf %get3A_3, %get3A_8 : vector<2048x1xf32>
    %get3A_9 = arith.constant 0 : index
    %get3A_10 = arith.constant 0 : index
    %get3A_11 = vector.load %arg3[%get3A_9, %get3A_10] : memref<2048x1xf32, #tpu.memory_space<vmem>>, vector<2048x1xf32>
    %mul3A = arith.mulf %add3A, %get3A_11 : vector<2048x1xf32>
    %get3A_12 = arith.constant 0 : index
    %get3A_13 = arith.constant 0 : index
    %get3A_14 = vector.load %arg2[%get3A_12, %get3A_13] : memref<2048x1xf32, #tpu.memory_space<vmem>>, vector<2048x1xf32>
    %add3A_15 = arith.addf %mul3A, %get3A_14 : vector<2048x1xf32>
    %squeeze3A = vector.shape_cast %add3A_15 : vector<2048x1xf32> to vector<2048xf32>
    %swap3A = arith.constant 0 : index
    %swap3A_16 = vector.load %arg4[%swap3A] : memref<2048xf32, #tpu.memory_space<vmem>>, vector<2048xf32>
    tpu.vector_store %arg4[%swap3A], %squeeze3A {strides = array<i32>} : memref<2048xf32, #tpu.memory_space<vmem>>, vector<2048xf32>,
    return
  }
  func.func @transform_0(%arg0: i32) -> (i32, i32, i32) {
    %c0_i32 = arith.constant 0 : i32
    %c0_i32_0 = arith.constant 0 : i32
    %c0_i32_1 = arith.constant 0 : i32
    return %c0_i32, %arg0, %c0_i32_0 : i32, i32, i32
  }
  func.func @transform_1(%arg0: i32) -> (i32, i32) {
    %c0_i32 = arith.constant 0 : i32
    %c0_i32_0 = arith.constant 0 : i32
    return %arg0, %c0_i32 : i32, i32
  }
  func.func @transform_2(%arg0: i32) -> (i32, i32) {
    %c0_i32 = arith.constant 0 : i32
    %c0_i32_0 = arith.constant 0 : i32
    return %arg0, %c0_i32 : i32, i32
  }
  func.func @transform_3(%arg0: i32) -> i32 {
    %c0_i32 = arith.constant 0 : i32
    return %arg0 : i32
  }
}

</mosaic_0001>

<sc_bundles>
// kernel: kernel.12.cloned.1.call-start
scs
__scs_entry_jumppad:
0x0: {  	(pc) =	sbr.rel $0x88, $3  }
0x1: {  	(tag) =	ssettag $0x0;
	lr =	simm.s32 $0x1  }
0x2: {  	[smem:$0x3F96] =	sst lr;
	_ =	strace $0xD0000000  }
0x3: {  	_ = 	snop  }
0x4: {  	_ = 	snop  }
0x5: {  	_ = 	snop  }
0x6: {  	_ = 	snop  }
0x7: {  	_ = 	snop  }
__scs_overlays_trampoline_lowered:
0x8: {  	[smem:$0x3FA5] =	sst s0  }
0x9: {  	[smem:$0x3FA6] =	sst s1  }
0xa: {  	[smem:$0x3FA7] =	sst s2  }
0xb: {  	[smem:$0x3FA8] =	sst s3  }
0xc: {  	[smem:$0x3FA9] =	sst s4  }
0xd: {  	[smem:$0x3FAA] =	sst s5  }
0xe: {  	[smem:$0x3FAB] =	sst s6  }
0xf: {  	[smem:$0x3FAC] =	sst s7  }
0x10: {  	[smem:$0x3FAD] =	sst s8  }
0x11: {  	[smem:$0x3FAE] =	sst s9;
	s0 =	simm.s32 @!p0 $0x0  }
0x12: {  	s1 =	sld [smem:$0x3F94];
	s0 =	simm.s32 @p0 $0x1  }
0x13: {  	[smem:$0x3FAF] =	sst s0;
	s0 =	simm.s32 @!p1 $0x0  }
0x14: {  	s2 =	sld [smem:$0x3F93];
	s0 =	simm.s32 @p1 $0x1  }
0x15: {  	[smem:$0x3FB0] =	sst s0;
	s0 =	simm.s32 @!p2 $0x0  }
0x16: {  	s3 =	sld [smem:$0x3FDB];
	s0 =	simm.s32 @p2 $0x1  }
0x17: {  	s4 =	simm.s32 $0x1BF5;
	[smem:$0x3FB2] =	sst s0  }
0x18: {  	s0 =	sld [smem:$0x3F95];
	_ =	swait.ge [sflag:s4], $0x0  }
0x19: {  	s7 =	sld [smem:$0x3F96]  }
0x1a: {  	s8 =	sadd.s32 $0xFFFFE003, lr  }
0x1b: {  	s9 =	sadd.s32 $0xFFFFFEF7, lr;
	s5 =	simm.s32 $0xFFFFFFFF;
	p2 =	slt.u32 s8, $0xFFFFF086  }
0x1c: {  	p1 =	slt.u32 s9, $0xF7A;
	s5 =	simm.s32 @!p2 $0x0  }
0x1d: {  	s5 =	simm.s32 @p1 $0x1;
	p0 =	seq.s32 s7, s2  }
0x1e: {  	s7 =	smul.u32 @!p0 $0xF7A, s2;
	p2 =	seq.s32 @!p0 s5, $0x0  }
0x1f: {  	s9 =	smul.u32 $0xF7A, s1;
	s8 =	simm.s32 @!p0 $0x1BF5;
	p2 =	por !p2, p0  }
0x20: {  	[sflag:s8] =	ssyncset.s32 @!p0 $0xFFFFF086;
	s6 =	sadd.s32 @!p0 s3, s7;
	s7 =	simm.s32 @!p0 $0x108  }
0x21: {  	s3 =	sadd.s32 s3, s9;
	s6 =	sadd.s32 @!p0 $0x88, s6;
	s7 =	simm.s32 @p2 $0x1082  }
0x22: {  	[simem:s7], [sflag:s8] =	dma.local @!p0 [hbm:s6], $0xF7A  }
0x23: {  	s9 =	sor.u32 $0xD0000000, s2;
	s6 =	simm.s32 $0x108;
	_ =	swait.ge @!p0 [sflag:s8], $0x0  }
0x24: {  	s3 =	sadd.s32 $0x88, s3;
	s6 =	simm.s32 @!p1 $0x1082;
	[sflag:s4] =	ssyncset.s32 $0xFFFFF086  }
0x25: {  	[simem:s6], [sflag:s4] =	dma.local [hbm:s3], $0xF7A  }
0x26: {  	[smem:$0x3F96] =	sst s1;
	(tag) =	ssettag s2;
	_ =	strace s9  }
0x27: {  	s1 =	sld [smem:$0x3FA6]  }
0x28: {  	s2 =	sld [smem:$0x3FA7]  }
0x29: {  	s4 =	sld [smem:$0x3FA9]  }
0x2a: {  	p0 =	seq.s32 s5, $0x0;
	s5 =	sld [smem:$0x3FAA]  }
0x2b: {  	s6 =	sld [smem:$0x3FAB]  }
0x2c: {  	s7 =	sld [smem:$0x3FAC]  }
0x2d: {  	s3 =	simm.s32 $0x108;
	s8 =	sld [smem:$0x3FAD]  }
0x2e: {  	s3 =	simm.s32 @!p0 $0x1082;
	s9 =	sld [smem:$0x3FAE]  }
0x2f: {  	lr =	sadd.s32 s0, s3;
	s0 =	sld [smem:$0x3FA5]  }
0x30: {  	s3 =	sld [smem:$0x3FA8]  }
0x31: {  	[smem:$0x3FB1] =	sst s10  }
0x32: {  	s10 =	sld [smem:$0x3FAF];
	_ =	sdelay $0x3  }
0x33: {  	p0 =	seq.s32 s10, $0x1;
	s10 =	sld [smem:$0x3FB1];
	_ =	sdelay $0x3  }
0x34: {  	[smem:$0x3FB1] =	sst s10  }
0x35: {  	s10 =	sld [smem:$0x3FB0];
	_ =	sdelay $0x3  }
0x36: {  	p1 =	seq.s32 s10, $0x1;
	s10 =	sld [smem:$0x3FB1];
	_ =	sdelay $0x3  }
0x37: {  	[smem:$0x3FB1] =	sst s10  }
0x38: {  	s10 =	sld [smem:$0x3FB2]  }
0x39: {  	_ = 	snop;
	(pc) =	sbr.ind lr, $3  }
0x3a: {  	_ = 	snop  }
0x3b: {  	_ = 	snop  }
0x3c: {  	p2 =	seq.s32 s10, $0x1;
	s10 =	sld [smem:$0x3FB1]  }
0x3d: {  	_ =	shalt  }
0x3e: {  	_ =	shalt  }
0x3f: {  	_ =	shalt  }
0x40: {  	_ =	shalt  }
0x41: {  	_ =	shalt  }
0x42: {  	_ =	shalt  }
0x43: {  	_ =	shalt  }
0x44: {  	_ =	shalt  }
0x45: {  	_ =	shalt  }
0x46: {  	_ =	shalt  }
0x47: {  	_ =	shalt  }
0x48: {  	_ =	shalt  }
0x49: {  	_ =	shalt  }
0x4a: {  	_ =	shalt  }
0x4b: {  	_ =	shalt  }
0x4c: {  	_ =	shalt  }
0x4d: {  	_ =	shalt  }
0x4e: {  	_ =	shalt  }
0x4f: {  	_ =	shalt  }
0x50: {  	_ =	shalt  }
0x51: {  	_ =	shalt  }
0x52: {  	_ =	shalt  }
0x53: {  	_ =	shalt  }
0x54: {  	_ =	shalt  }
0x55: {  	_ =	shalt  }
0x56: {  	_ =	shalt  }
0x57: {  	_ =	shalt  }
0x58: {  	_ =	shalt  }
0x59: {  	_ =	shalt  }
0x5a: {  	_ =	shalt  }
0x5b: {  	_ =	shalt  }
0x5c: {  	_ =	shalt  }
0x5d: {  	_ =	shalt  }
0x5e: {  	_ =	shalt  }
0x5f: {  	_ =	shalt  }
0x60: {  	_ =	shalt  }
0x61: {  	_ =	shalt  }
0x62: {  	_ =	shalt  }
0x63: {  	_ =	shalt  }
0x64: {  	_ =	shalt  }
0x65: {  	_ =	shalt  }
0x66: {  	_ =	shalt  }
0x67: {  	_ =	shalt  }
0x68: {  	_ =	shalt  }
0x69: {  	_ =	shalt  }
0x6a: {  	_ =	shalt  }
0x6b: {  	_ =	shalt  }
0x6c: {  	_ =	shalt  }
0x6d: {  	_ =	shalt  }
0x6e: {  	_ =	shalt  }
0x6f: {  	_ =	shalt  }
0x70: {  	_ =	shalt  }
0x71: {  	_ =	shalt  }
0x72: {  	_ =	shalt  }
0x73: {  	_ =	shalt  }
0x74: {  	_ =	shalt  }
0x75: {  	_ =	shalt  }
0x76: {  	_ =	shalt  }
0x77: {  	_ =	shalt  }
0x78: {  	_ =	shalt  }
0x79: {  	_ =	shalt  }
0x7a: {  	_ =	shalt  }
0x7b: {  	_ =	shalt  }
0x7c: {  	_ =	shalt  }
0x7d: {  	_ =	shalt  }
0x7e: {  	_ =	shalt  }
0x7f: {  	_ =	shalt  }
0x80: {  	_ =	shalt  }
0x81: {  	_ =	shalt  }
0x82: {  	_ =	shalt  }
0x83: {  	_ =	shalt  }
0x84: {  	_ =	shalt  }
0x85: {  	_ =	shalt  }
0x86: {  	_ =	shalt  }
0x87: {  	_ =	shalt  }
.Lfunc_end0:
.L_simem_size_0:
called_computation.1_lowered:
.L_overlay_start_0:
0x88: {  	s2 =	sld [smem:$0x3FD9]  }
0x89: {  	s3 =	sld [smem:$0x3FFE];
	_ =	sdelay $0x1  }
0x8a: {  	s1 =	srdreg.scid  }
0x8b: {  	s0 =	sand.u32 $0x1, s1  }
0x8c: {  	s16 =	sshll.u32 s0, $0xA;
	s2 =	sadd.s32 s3, s2  }
0x8d: {  	s2 =	sadd.s32 s2, s16  }
0x8e: {  	[smem:$0x3FBD] =	sst s2  }
0x8f: {  	_ = 	snop  }
0x90: {  	(tm) =	ssettm $0x1  }
0x91: {  	s17 =	sld [smem:$0x3FFB];
	_ =	sdelay $0x3  }
0x92: {  	_ =	strace s17  }
0x93: {  	s2 =	sld [smem:$0x3FFC];
	_ =	sdelay $0x3  }
0x94: {  	_ =	strace s2  }
0x95: {  	s2 =	sld [smem:$0x3FFD];
	_ =	sdelay $0x3  }
0x96: {  	_ =	strace s2  }
0x97: {  	_ =	strace $0x8FFFFFFF  }
0x98: {  	s18 =	sld [smem:$0x3FDB];
	_ =	sdelay $0x1  }
0x99: {  	s19 =	simm.s32 $_scs_section_size  }
0x9a: {  	s4 =	simm.s32 $_size__tile_overlayer_lowered;
	s5 =	simm.s32 $_tile_overlayer_lowered  }
0x9b: {  	s22 =	simm.s32 $0x1BFF;
	s21 =	sshll.u32 s5, $0x1;
	s2 =	sadd.s32 s19, s18  }
0x9c: {  	s6 =	simm.s32 $0x0;
	s20 =	sshll.u32 s4, $0x1;
	s4 =	sadd.s32 s21, s2  }
0x9d: {  	[timem:s6], [sflag:s22] =	dma.local [hbm:s4], s20  }
0x9e: {  	_ =	swait.ge [sflag:s22], s20  }
0x9f: {  	s3 =	ssub.s32 $0x0, s20;
	[sflag:s22] =	ssyncset.done $0x0  }
0xa0: {  	[sflag:s22] =	ssyncadd.s32 s3;
	_ =	sdelay $0x1  }
0xa1: {  	s23 =	simm.s32 $0x1B8B  }
0xa2: {  	_ =	swait.ge [sflag:s23], $0x1  }
0xa3: {  	[sflag:s23] =	ssyncset.done $0x0  }
0xa4: {  	s25 =	simm.s32 $0x1B8E;
	s24 =	sld [smem:$0x3FFE];
	[sflag:s23] =	ssyncadd.s32 $0xFFFFFFFF  }
0xa5: {  	s26 =	simm.s32 $execute0_lowered;
	[smem:$0x3FD2] =	sst s25  }
0xa6: {  	s4 =	sshll.u32 s26, $0x1;
	_ =	strace $0x80000049;
	[dreg:$0x1] =	wrdreg $0xFFFFFFFF  }
0xa7: {  	s28 =	simm.s32 $_size_execute0_lowered;
	s2 =	sadd.s32 s2, s4;
	[dreg:$0x0] =	wrdreg $0x0  }
0xa8: {  	s4 =	sshll.u32 s28, $0x1;
	[dreg:$0x2] =	wrdreg s2  }
0xa9: {  	[dreg:$0x3] =	wrdreg s4  }
0xaa: {  	[dreg:$0x4] =	wrdreg $0xC0  }
0xab: {  	_ =	task [dreg:s6], $0x5FFFF  }
0xac: {  	[dreg:$0x1] =	wrdreg $0xFFFFFFFF  }
0xad: {  	[dreg:$0x0] =	wrdreg $0x60  }
0xae: {  	[dreg:$0x2] =	wrdreg s24  }
0xaf: {  	[dreg:$0x3] =	wrdreg $0x90000  }
0xb0: {  	[dreg:$0x4] =	wrdreg $0x9  }
0xb1: {  	_ =	task.clear_ibuf [dreg:s6], $0x5FFFF;
	_ =	strace $0x90000049  }
0xb2: {  	s29 =	simm.s32 $0x9;
	_ =	strace $0x8000004B  }
0xb3: {  	_ =	swait.ge [sflag:s29], $0x1  }
0xb4: {  	[sflag:s29] =	ssyncadd.s32 $0xFFFFFFFF  }
0xb5: {  	_ =	strace $0x9000004B  }
0xb6: {  	_ =	sfence  }
0xb7: {  	s30 =	sld [smem:$0x0];
	_ =	sdelay $0x2  }
0xb8: {  	s31 =	sshll.u32 s1, $0xD;
	s1 =	sshrl.u32 s1, $0x2  }
0xb9: {  	s3 =	sand.u32 $0x4000, s31;
	s1 =	sadd.s32 s1, s30  }
0xba: {  	s0 =	sor.u32 s3, s0;
	s1 =	sshll.u32 s1, $0x11  }
0xbb: {  	s0 =	sor.u32 s1, s0  }
0xbc: {  	s0 =	sadd.s32 $0x8F2B, s0  }
0xbd: {  	[sflag:s0] =	ssyncadd.remote.s32 $0x1  }
0xbe: {  	_ =	sfence.sel $0xFFFF  }
0xbf: {  	[dreg:$0x0] =	wrdreg $0xFFFFFFFF;
	(pc) =	sbr.abs _section_cstart, $3  }
0xc0: {  	[dreg:$0x1] =	wrdreg $0xFFFFFFFF  }
0xc1: {  	_ =	task.clear_ibuf [dreg:s6], $0x2FFFF;
	_ =	strace $0x9FFFFFFF  }
0xc2: {  	(tm) =	ssettm $0x7FFFFFFF  }
0xc3: {  	_ =	shalt  }
tec
execute0_lowered:
.L_overlay_start_1:
0x0: {  	(tag) =	ssettag $0x1  }
0x1: {  	s5 =	rddreg [dreg:$0x0];
	s1 =	srdreg.scid  }
0x2: {  	s0 =	stileid.u32;
	s2 =	rddreg [dreg:$0x1];
	s3 =	simm.s32 $0x0  }
0x3: {  	s21 =	simm.s32 $0x80;
	s22 =	simm.s32 $0x1;
	s23 =	simm.s32 $0x0  }
0x4: {  	s8 =	sand.u32 $0x1, s1;
	s4 =	sshll.u32 s0, $0x1;
	s1 =	rddreg [dreg:$0x2]  }
0x5: {  	[smem:$0x7FF] =	sst s3;
	s11 =	smul.u32 $0x14000, s0;
	s16 =	sadd.s32 $0x42E00, s5  }
0x6: {  	s4 =	sor.u32 s8, s4;
	_ =	strace $0x8000004A;
	s18 =	smul.u32 $0x140000, s8  }
0x7: {  	s7 =	ssub.s32 $0x2, s8;
	s6 =	smul.u32 $0x500, s4;
	s4 =	sadd.s32 $0x1E00, s5  }
0x8: {  	s9 =	sshrl.u32 s7, $0x1;
	s12 =	sadd.s32 $0x4000, s11;
	s14 =	sadd.s32 $0x8000, s11  }
0x9: {  	s15 =	sadd.s32 $0xC000, s11;
	s19 =	sadd.s32 $0x10000, s11;
	s17 =	ssub.s32 s7, s9  }
0xa: {  	s7 =	sadd.s32 s11, s2;
	s8 =	sadd.s32 s12, s2;
	s9 =	sadd.s32 s14, s2  }
0xb: {  	s10 =	sadd.s32 s15, s2;
	s13 =	sadd.s32 s11, s18;
	s12 =	sadd.s32 s18, s12  }
0xc: {  	s11 =	sadd.s32 s19, s2;
	s14 =	sadd.s32 s18, s14;
	s15 =	sadd.s32 s18, s15  }
0xd: {  	s18 =	sadd.s32 s18, s19;
	s19 =	simm.s32 $0x2800;
	s6 =	sadd.s32 s6, s5  }
0xe: {  	s13 =	sshrl.u32 s13, $0x3;
	s20 =	sshrl.u32 s12, $0x3;
	s14 =	sshrl.u32 s14, $0x3  }
0xf: {  	s15 =	sshrl.u32 s15, $0x3;
	s18 =	sshrl.u32 s18, $0x3;
	s17 =	smax.u32 s17, $0x1  }
0x10: {  	s5 =	sadd.s32 $0x2EE00, s6;
	s6 =	sadd.s32 $0x38E00, s6;
	s12 =	sadd.s32 s16, s13  }
0x11: {  	s13 =	sadd.s32 s16, s20;
	s14 =	sadd.s32 s16, s14;
	s15 =	sadd.s32 s16, s15  }
0x12: {  	v0 =	vimm.f32 $0.0e+00;
	s16 =	sadd.s32 s16, s18;
	s18 =	simm.s32 $0x2;
	s20 =	simm.s32 $0x5000  }
.LBB2_1:
0x13: {  	[tilespmem:s3], [sflag:$0x2] =	stream.linear.gather [hbm4b:s5+s3], $0x2800, $0x38;
	[tilespmem:$0x1D000] =	vst v63  }
0x14: {  	_ =	swait.ge [sflag:s18], $0x2800  }
0x15: {  	[sflag:s18] =	ssyncset.done $0x0  }
0x16: {  	[sflag:s18] =	ssyncadd.s32 $0xFFFFD800  }
0x17: {  	[tilespmem:s19], [sflag:$0x2] =	stream.linear.gather [hbm4b:s6+s3], $0x2800, $0x38;
	[tilespmem:$0x1D000] =	vst v63  }
0x18: {  	_ =	swait.ge [sflag:s18], $0x2800  }
0x19: {  	[sflag:s18] =	ssyncset.done $0x0  }
0x1a: {  	s24 =	simm.s32 $0x0;
	s25 =	simm.s32 $0x200;
	[sflag:s18] =	ssyncadd.s32 $0xFFFFD800  }
.LBB2_2:
0x1b: {  	p0 =	sne.s32 s25, $0xFE00;
	[tilespmem:s24+$0x5070] =	vst v0  }
0x1c: {  	[tilespmem:s24+$0x5000] =	vst v0  }
0x1d: {  	[tilespmem:s24+$0x5010] =	vst v0  }
.Ltmp0:
0x1e: {  	[tilespmem:s24+$0x5020] =	vst v0;
	(pc) =	sbr.rel @p0 .LBB2_2-.Ltmp0, $4  }
0x1f: {  	[tilespmem:s24+$0x5030] =	vst v0  }
0x20: {  	[tilespmem:s24+$0x5040] =	vst v0  }
0x21: {  	[tilespmem:s24+$0x5050] =	vst v0  }
0x22: {  	[tilespmem:s24+$0x5060] =	vst v0;
	s24 =	sshra.s32 s25, $0x2;
	s25 =	sadd.s32 $0x200, s25  }
0x23: {  	[tilespmem:s24+$0x5070] =	vst v0  }
0x24: {  	[tilespmem:s24+$0x5000] =	vst v0  }
0x25: {  	[tilespmem:s24+$0x5010] =	vst v0  }
0x26: {  	[tilespmem:s24+$0x5020] =	vst v0  }
0x27: {  	[tilespmem:s24+$0x5030] =	vst v0  }
0x28: {  	[tilespmem:s24+$0x5040] =	vst v0  }
0x29: {  	[tilespmem:s24+$0x5050] =	vst v0  }
0x2a: {  	[tilespmem:s24+$0x5060] =	vst v0  }
0x2b: {  	[spmem:s7] =	stream.linear.scatter [tilespmem:s20], [sflag:$0x2], $0x4000, $0x38;
	[tilespmem:$0x1D000] =	vst v63  }
0x2c: {  	_ =	swait.ge [sflag:s18], $0x4000  }
0x2d: {  	[sflag:s18] =	ssyncset.done $0x0  }
0x2e: {  	[sflag:s18] =	ssyncadd.s32 $0xFFFFC000  }
0x2f: {  	[spmem:s8] =	stream.linear.scatter [tilespmem:s20], [sflag:$0x2], $0x4000, $0x38;
	[tilespmem:$0x1D000] =	vst v63  }
0x30: {  	_ =	swait.ge [sflag:s18], $0x4000  }
0x31: {  	[sflag:s18] =	ssyncset.done $0x0  }
0x32: {  	[sflag:s18] =	ssyncadd.s32 $0xFFFFC000  }
0x33: {  	[spmem:s9] =	stream.linear.scatter [tilespmem:s20], [sflag:$0x2], $0x4000, $0x38;
	[tilespmem:$0x1D000] =	vst v63  }
0x34: {  	_ =	swait.ge [sflag:s18], $0x4000  }
0x35: {  	[sflag:s18] =	ssyncset.done $0x0  }
0x36: {  	[sflag:s18] =	ssyncadd.s32 $0xFFFFC000  }
0x37: {  	[spmem:s10] =	stream.linear.scatter [tilespmem:s20], [sflag:$0x2], $0x4000, $0x38;
	[tilespmem:$0x1D000] =	vst v63  }
0x38: {  	_ =	swait.ge [sflag:s18], $0x4000  }
0x39: {  	[sflag:s18] =	ssyncset.done $0x0  }
0x3a: {  	[sflag:s18] =	ssyncadd.s32 $0xFFFFC000  }
0x3b: {  	[spmem:s11] =	stream.linear.scatter [tilespmem:s20], [sflag:$0x2], $0x4000, $0x38;
	[tilespmem:$0x1D000] =	vst v63  }
0x3c: {  	_ =	swait.ge [sflag:s18], $0x4000  }
0x3d: {  	[sflag:s18] =	ssyncset.done $0x0  }
0x3e: {  	[sflag:s18] =	ssyncadd.s32 $0xFFFFC000  }
0x3f: {  	s30 =	simm.s32 $0x0;
	[bflag:$0x0] =	sbarrier.arrive $0xFFFF  }
0x40: {  	[tilespmem:s20], [sflag:$0x1] =	stream.indirect.gather [hbm4b:s4+s21], $0x80, s30, s21, $0xb8;
	[tilespmem:$0x1D000] =	vst v63  }
0x41: {  	_ =	swait.ge [sflag:s22], $0x4000  }
0x42: {  	[sflag:s22] =	ssyncset.done $0x0  }
0x43: {  	s31 =	simm.s32 $0x2800;
	[sflag:s22] =	ssyncadd.s32 $0xFFFFC000  }
0x44: {  	[spmem:s2] =	stream.indirect.scatter.add.f32 [tilespmem:s20], [sflag:$0x2], $0x80, s31, s21, $0xb8;
	[tilespmem:$0x1D000] =	vst v63  }
0x45: {  	_ =	swait.ge [sflag:s18], $0x4000  }
0x46: {  	s24 =	simm.s32 $0x200;
	s25 =	simm.s32 $0x400;
	[sflag:s18] =	ssyncset.done $0x0  }
.LBB2_4:
0x47: {  	s26 =	sshra.s32 s24, $0x2  }
0x48: {  	[sflag:s18] =	ssyncadd.s32 $0xFFFFC000;
	s24 =	smov.u32 s25;
	s28 =	sadd.s32 $0x200, s25  }
0x49: {  	[tilespmem:s20], [sflag:$0x1] =	stream.indirect.gather [hbm4b:s4+s21], $0x80, s26, s21, $0xb8;
	[tilespmem:$0x1D000] =	vst v63  }
0x4a: {  	p0 =	sne.s32 s25, $0x9E00;
	_ =	swait.ge [sflag:s22], $0x4000  }
.Ltmp1:
0x4b: {  	[sflag:s22] =	ssyncset.done $0x0;
	(pc) =	sbr.rel @p0 .LBB2_4-.Ltmp1, $4  }
0x4c: {  	s25 =	sadd.s32 $0x2800, s26;
	[sflag:s22] =	ssyncadd.s32 $0xFFFFC000  }
0x4d: {  	[spmem:s2] =	stream.indirect.scatter.add.f32 [tilespmem:s20], [sflag:$0x2], $0x80, s25, s21, $0xb8;
	[tilespmem:$0x1D000] =	vst v63  }
0x4e: {  	_ =	swait.ge [sflag:s18], $0x4000  }
0x4f: {  	s25 =	smov.u32 s28;
	[sflag:s18] =	ssyncset.done $0x0  }
0x50: {  	s24 =	sshra.s32 s24, $0x2;
	[sflag:s18] =	ssyncadd.s32 $0xFFFFC000  }
0x51: {  	[tilespmem:s20], [sflag:$0x1] =	stream.indirect.gather [hbm4b:s4+s21], $0x80, s24, s21, $0xb8;
	[tilespmem:$0x1D000] =	vst v63  }
0x52: {  	_ =	swait.ge [sflag:s22], $0x4000  }
0x53: {  	[sflag:s22] =	ssyncset.done $0x0  }
0x54: {  	s24 =	sadd.s32 $0x2800, s24;
	[sflag:s22] =	ssyncadd.s32 $0xFFFFC000  }
0x55: {  	[spmem:s2] =	stream.indirect.scatter.add.f32 [tilespmem:s20], [sflag:$0x2], $0x80, s24, s21, $0xb8;
	[tilespmem:$0x1D000] =	vst v63  }
0x56: {  	_ =	swait.ge [sflag:s18], $0x4000  }
0x57: {  	[sflag:s18] =	ssyncset.done $0x0  }
0x58: {  	s26 =	sshll.u32 s0, $0x6;
	[sflag:s18] =	ssyncadd.s32 $0xFFFFC000  }
0x59: {  	s25 =	sshrl.u32 s7, $0x3;
	s24 =	sor.u32 $0x1C02, s26;
	[bflag:$0x0] =	sbarrier.arrive $0xFFFF  }
0x5a: {  	[hbm:s12], [sflag:s24] =	dma.local [spmem:s25], $0x800  }
0x5b: {  	_ =	swait.ge [sflag:s18], $0x800  }
0x5c: {  	[sflag:s18] =	ssyncset.done $0x0  }
0x5d: {  	s28 =	sshrl.u32 s8, $0x3;
	[sflag:s18] =	ssyncadd.s32 $0xFFFFF800  }
0x5e: {  	[hbm:s13], [sflag:s24] =	dma.local [spmem:s28], $0x800  }
0x5f: {  	_ =	swait.ge [sflag:s18], $0x800  }
0x60: {  	[sflag:s18] =	ssyncset.done $0x0  }
0x61: {  	s29 =	sshrl.u32 s9, $0x3;
	[sflag:s18] =	ssyncadd.s32 $0xFFFFF800  }
0x62: {  	[hbm:s14], [sflag:s24] =	dma.local [spmem:s29], $0x800  }
0x63: {  	_ =	swait.ge [sflag:s18], $0x800  }
0x64: {  	[sflag:s18] =	ssyncset.done $0x0  }
0x65: {  	s30 =	sshrl.u32 s10, $0x3;
	[sflag:s18] =	ssyncadd.s32 $0xFFFFF800  }
0x66: {  	[hbm:s15], [sflag:s24] =	dma.local [spmem:s30], $0x800  }
0x67: {  	s23 =	sadd.s32 $0x1, s23;
	_ =	swait.ge [sflag:s18], $0x800  }
0x68: {  	p0 =	sne.s32 s23, s17;
	[sflag:s18] =	ssyncset.done $0x0  }
.Ltmp2:
0x69: {  	s31 =	sshrl.u32 s11, $0x3;
	[sflag:s18] =	ssyncadd.s32 $0xFFFFF800;
	(pc) =	sbr.rel @p0 .LBB2_1-.Ltmp2, $4  }
0x6a: {  	[hbm:s16], [sflag:s24] =	dma.local [spmem:s31], $0x800  }
0x6b: {  	_ =	swait.ge [sflag:s18], $0x800  }
0x6c: {  	[sflag:s18] =	ssyncset.done $0x0  }
0x6d: {  	[sflag:s18] =	ssyncadd.s32 $0xFFFFF800  }
0x6e: {  	_ =	sfence.sel $0x180000  }
0x6f: {  	[bflag:$0x0] =	sbarrier.arrive $0xFFFF  }
0x70: {  	p0 =	sne.s32 s0, $0x0;
	_ =	strace $0x9000004A  }
0x71: {  	s0 =	sadd.s32 @!p0 $0x100000, s1;
	[bflag:$0x2] =	sbarrier.arrive $0xFFFF  }
0x72: {  	[sflag:s0] =	ssyncadd.tile.s32 @!p0 $0x1;
	_ =	shalt  }
.Lfunc_end2:
_tile_overlayer_lowered:
.L_overlay_start_2:
0x73: {  	(tag) =	ssettag $0x2  }
0x74: {  	s0 =	rddreg [dreg:$0x0];
	s2 =	stileid.u32  }
0x75: {  	s1 =	rddreg [dreg:$0x1];
	p0 =	sne.s32 s2, $0x0  }
0x76: {  	s3 =	rddreg [dreg:$0x2];
	[bflag:$0x3] =	sbarrier.arrive $0xFFFF;
	s2 =	simm.s32 @!p0 $0x1C02  }
0x77: {  	[timem:s3], [sflag:s2] =	dma.local @!p0 [hbm:s0], s1  }
0x78: {  	s0 =	simm.s32 @!p0 $0x2  }
0x79: {  	_ =	swait.ge @!p0 [sflag:s0], s1  }
0x7a: {  	s1 =	ssub.s32 @!p0 $0x0, s1;
	[sflag:s0] =	ssyncset.done @!p0 $0x0  }
0x7b: {  	[sflag:s0] =	ssyncadd.s32 @!p0 s1  }
0x7c: {  	[bflag:$0x3] =	sbarrier.arrive $0xFFFF  }
0x7d: {  	_ =	shalt  }

// kernel: kernel.15.cloned.1.call-start
scs
__scs_entry_jumppad:
0x0: {  	(pc) =	sbr.rel $0x88, $3  }
0x1: {  	(tag) =	ssettag $0x0;
	lr =	simm.s32 $0x1  }
0x2: {  	[smem:$0x3F96] =	sst lr;
	_ =	strace $0xD0000000  }
0x3: {  	_ = 	snop  }
0x4: {  	_ = 	snop  }
0x5: {  	_ = 	snop  }
0x6: {  	_ = 	snop  }
0x7: {  	_ = 	snop  }
__scs_overlays_trampoline_lowered:
0x8: {  	[smem:$0x3FA5] =	sst s0  }
0x9: {  	[smem:$0x3FA6] =	sst s1  }
0xa: {  	[smem:$0x3FA7] =	sst s2  }
0xb: {  	[smem:$0x3FA8] =	sst s3  }
0xc: {  	[smem:$0x3FA9] =	sst s4  }
0xd: {  	[smem:$0x3FAA] =	sst s5  }
0xe: {  	[smem:$0x3FAB] =	sst s6  }
0xf: {  	[smem:$0x3FAC] =	sst s7  }
0x10: {  	[smem:$0x3FAD] =	sst s8  }
0x11: {  	[smem:$0x3FAE] =	sst s9;
	s0 =	simm.s32 @!p0 $0x0  }
0x12: {  	s1 =	sld [smem:$0x3F94];
	s0 =	simm.s32 @p0 $0x1  }
0x13: {  	[smem:$0x3FAF] =	sst s0;
	s0 =	simm.s32 @!p1 $0x0  }
0x14: {  	s2 =	sld [smem:$0x3F93];
	s0 =	simm.s32 @p1 $0x1  }
0x15: {  	[smem:$0x3FB0] =	sst s0;
	s0 =	simm.s32 @!p2 $0x0  }
0x16: {  	s3 =	sld [smem:$0x3FDB];
	s0 =	simm.s32 @p2 $0x1  }
0x17: {  	s4 =	simm.s32 $0x1BF5;
	[smem:$0x3FB2] =	sst s0  }
0x18: {  	s0 =	sld [smem:$0x3F95];
	_ =	swait.ge [sflag:s4], $0x0  }
0x19: {  	s7 =	sld [smem:$0x3F96]  }
0x1a: {  	s8 =	sadd.s32 $0xFFFFE003, lr  }
0x1b: {  	s9 =	sadd.s32 $0xFFFFFEF7, lr;
	s5 =	simm.s32 $0xFFFFFFFF;
	p2 =	slt.u32 s8, $0xFFFFF086  }
0x1c: {  	p1 =	slt.u32 s9, $0xF7A;
	s5 =	simm.s32 @!p2 $0x0  }
0x1d: {  	s5 =	simm.s32 @p1 $0x1;
	p0 =	seq.s32 s7, s2  }
0x1e: {  	s7 =	smul.u32 @!p0 $0xF7A, s2;
	p2 =	seq.s32 @!p0 s5, $0x0  }
0x1f: {  	s9 =	smul.u32 $0xF7A, s1;
	s8 =	simm.s32 @!p0 $0x1BF5;
	p2 =	por !p2, p0  }
0x20: {  	[sflag:s8] =	ssyncset.s32 @!p0 $0xFFFFF086;
	s6 =	sadd.s32 @!p0 s3, s7;
	s7 =	simm.s32 @!p0 $0x108  }
0x21: {  	s3 =	sadd.s32 s3, s9;
	s6 =	sadd.s32 @!p0 $0x88, s6;
	s7 =	simm.s32 @p2 $0x1082  }
0x22: {  	[simem:s7], [sflag:s8] =	dma.local @!p0 [hbm:s6], $0xF7A  }
0x23: {  	s9 =	sor.u32 $0xD0000000, s2;
	s6 =	simm.s32 $0x108;
	_ =	swait.ge @!p0 [sflag:s8], $0x0  }
0x24: {  	s3 =	sadd.s32 $0x88, s3;
	s6 =	simm.s32 @!p1 $0x1082;
	[sflag:s4] =	ssyncset.s32 $0xFFFFF086  }
0x25: {  	[simem:s6], [sflag:s4] =	dma.local [hbm:s3], $0xF7A  }
0x26: {  	[smem:$0x3F96] =	sst s1;
	(tag) =	ssettag s2;
	_ =	strace s9  }
0x27: {  	s1 =	sld [smem:$0x3FA6]  }
0x28: {  	s2 =	sld [smem:$0x3FA7]  }
0x29: {  	s4 =	sld [smem:$0x3FA9]  }
0x2a: {  	p0 =	seq.s32 s5, $0x0;
	s5 =	sld [smem:$0x3FAA]  }
0x2b: {  	s6 =	sld [smem:$0x3FAB]  }
0x2c: {  	s7 =	sld [smem:$0x3FAC]  }
0x2d: {  	s3 =	simm.s32 $0x108;
	s8 =	sld [smem:$0x3FAD]  }
0x2e: {  	s3 =	simm.s32 @!p0 $0x1082;
	s9 =	sld [smem:$0x3FAE]  }
0x2f: {  	lr =	sadd.s32 s0, s3;
	s0 =	sld [smem:$0x3FA5]  }
0x30: {  	s3 =	sld [smem:$0x3FA8]  }
0x31: {  	[smem:$0x3FB1] =	sst s10  }
0x32: {  	s10 =	sld [smem:$0x3FAF];
	_ =	sdelay $0x3  }
0x33: {  	p0 =	seq.s32 s10, $0x1;
	s10 =	sld [smem:$0x3FB1];
	_ =	sdelay $0x3  }
0x34: {  	[smem:$0x3FB1] =	sst s10  }
0x35: {  	s10 =	sld [smem:$0x3FB0];
	_ =	sdelay $0x3  }
0x36: {  	p1 =	seq.s32 s10, $0x1;
	s10 =	sld [smem:$0x3FB1];
	_ =	sdelay $0x3  }
0x37: {  	[smem:$0x3FB1] =	sst s10  }
0x38: {  	s10 =	sld [smem:$0x3FB2]  }
0x39: {  	_ = 	snop;
	(pc) =	sbr.ind lr, $3  }
0x3a: {  	_ = 	snop  }
0x3b: {  	_ = 	snop  }
0x3c: {  	p2 =	seq.s32 s10, $0x1;
	s10 =	sld [smem:$0x3FB1]  }
0x3d: {  	_ =	shalt  }
0x3e: {  	_ =	shalt  }
0x3f: {  	_ =	shalt  }
0x40: {  	_ =	shalt  }
0x41: {  	_ =	shalt  }
0x42: {  	_ =	shalt  }
0x43: {  	_ =	shalt  }
0x44: {  	_ =	shalt  }
0x45: {  	_ =	shalt  }
0x46: {  	_ =	shalt  }
0x47: {  	_ =	shalt  }
0x48: {  	_ =	shalt  }
0x49: {  	_ =	shalt  }
0x4a: {  	_ =	shalt  }
0x4b: {  	_ =	shalt  }
0x4c: {  	_ =	shalt  }
0x4d: {  	_ =	shalt  }
0x4e: {  	_ =	shalt  }
0x4f: {  	_ =	shalt  }
0x50: {  	_ =	shalt  }
0x51: {  	_ =	shalt  }
0x52: {  	_ =	shalt  }
0x53: {  	_ =	shalt  }
0x54: {  	_ =	shalt  }
0x55: {  	_ =	shalt  }
0x56: {  	_ =	shalt  }
0x57: {  	_ =	shalt  }
0x58: {  	_ =	shalt  }
0x59: {  	_ =	shalt  }
0x5a: {  	_ =	shalt  }
0x5b: {  	_ =	shalt  }
0x5c: {  	_ =	shalt  }
0x5d: {  	_ =	shalt  }
0x5e: {  	_ =	shalt  }
0x5f: {  	_ =	shalt  }
0x60: {  	_ =	shalt  }
0x61: {  	_ =	shalt  }
0x62: {  	_ =	shalt  }
0x63: {  	_ =	shalt  }
0x64: {  	_ =	shalt  }
0x65: {  	_ =	shalt  }
0x66: {  	_ =	shalt  }
0x67: {  	_ =	shalt  }
0x68: {  	_ =	shalt  }
0x69: {  	_ =	shalt  }
0x6a: {  	_ =	shalt  }
0x6b: {  	_ =	shalt  }
0x6c: {  	_ =	shalt  }
0x6d: {  	_ =	shalt  }
0x6e: {  	_ =	shalt  }
0x6f: {  	_ =	shalt  }
0x70: {  	_ =	shalt  }
0x71: {  	_ =	shalt  }
0x72: {  	_ =	shalt  }
0x73: {  	_ =	shalt  }
0x74: {  	_ =	shalt  }
0x75: {  	_ =	shalt  }
0x76: {  	_ =	shalt  }
0x77: {  	_ =	shalt  }
0x78: {  	_ =	shalt  }
0x79: {  	_ =	shalt  }
0x7a: {  	_ =	shalt  }
0x7b: {  	_ =	shalt  }
0x7c: {  	_ =	shalt  }
0x7d: {  	_ =	shalt  }
0x7e: {  	_ =	shalt  }
0x7f: {  	_ =	shalt  }
0x80: {  	_ =	shalt  }
0x81: {  	_ =	shalt  }
0x82: {  	_ =	shalt  }
0x83: {  	_ =	shalt  }
0x84: {  	_ =	shalt  }
0x85: {  	_ =	shalt  }
0x86: {  	_ =	shalt  }
0x87: {  	_ =	shalt  }
.Lfunc_end0:
.L_simem_size_0:
called_computation.2_lowered:
.L_overlay_start_0:
0x88: {  	s2 =	sld [smem:$0x3FD9]  }
0x89: {  	s3 =	sld [smem:$0x3FFE];
	_ =	sdelay $0x1  }
0x8a: {  	s1 =	srdreg.scid  }
0x8b: {  	s0 =	sand.u32 $0x1, s1  }
0x8c: {  	s16 =	sshll.u32 s0, $0xA;
	s2 =	sadd.s32 s3, s2  }
0x8d: {  	s2 =	sadd.s32 s2, s16  }
0x8e: {  	[smem:$0x3FBD] =	sst s2  }
0x8f: {  	_ = 	snop  }
0x90: {  	(tm) =	ssettm $0x1  }
0x91: {  	s17 =	sld [smem:$0x3FFB];
	_ =	sdelay $0x3  }
0x92: {  	_ =	strace s17  }
0x93: {  	s2 =	sld [smem:$0x3FFC];
	_ =	sdelay $0x3  }
0x94: {  	_ =	strace s2  }
0x95: {  	s2 =	sld [smem:$0x3FFD];
	_ =	sdelay $0x3  }
0x96: {  	_ =	strace s2  }
0x97: {  	_ =	strace $0x8FFFFFFF  }
0x98: {  	s18 =	sld [smem:$0x3FDB];
	_ =	sdelay $0x1  }
0x99: {  	s19 =	simm.s32 $_scs_section_size  }
0x9a: {  	s4 =	simm.s32 $_size__tile_overlayer_lowered;
	s5 =	simm.s32 $_tile_overlayer_lowered  }
0x9b: {  	s22 =	simm.s32 $0x1BFF;
	s21 =	sshll.u32 s5, $0x1;
	s2 =	sadd.s32 s19, s18  }
0x9c: {  	s6 =	simm.s32 $0x0;
	s20 =	sshll.u32 s4, $0x1;
	s4 =	sadd.s32 s21, s2  }
0x9d: {  	[timem:s6], [sflag:s22] =	dma.local [hbm:s4], s20  }
0x9e: {  	_ =	swait.ge [sflag:s22], s20  }
0x9f: {  	s3 =	ssub.s32 $0x0, s20;
	[sflag:s22] =	ssyncset.done $0x0  }
0xa0: {  	[sflag:s22] =	ssyncadd.s32 s3;
	_ =	sdelay $0x1  }
0xa1: {  	s23 =	simm.s32 $0x1B8B  }
0xa2: {  	_ =	swait.ge [sflag:s23], $0x1  }
0xa3: {  	[sflag:s23] =	ssyncset.done $0x0  }
0xa4: {  	s25 =	simm.s32 $0x1B8E;
	s24 =	sld [smem:$0x3FFE];
	[sflag:s23] =	ssyncadd.s32 $0xFFFFFFFF  }
0xa5: {  	s26 =	simm.s32 $execute0_lowered;
	[smem:$0x3FD2] =	sst s25  }
0xa6: {  	s4 =	sshll.u32 s26, $0x1;
	_ =	strace $0x8000004C;
	[dreg:$0x1] =	wrdreg $0xFFFFFFFF  }
0xa7: {  	s28 =	simm.s32 $_size_execute0_lowered;
	s2 =	sadd.s32 s2, s4;
	[dreg:$0x0] =	wrdreg $0x0  }
0xa8: {  	s4 =	sshll.u32 s28, $0x1;
	[dreg:$0x2] =	wrdreg s2  }
0xa9: {  	[dreg:$0x3] =	wrdreg s4  }
0xaa: {  	[dreg:$0x4] =	wrdreg $0xC0  }
0xab: {  	_ =	task [dreg:s6], $0x5FFFF  }
0xac: {  	[dreg:$0x1] =	wrdreg $0xFFFFFFFF  }
0xad: {  	[dreg:$0x0] =	wrdreg $0x60  }
0xae: {  	[dreg:$0x2] =	wrdreg s24  }
0xaf: {  	[dreg:$0x3] =	wrdreg $0x58000  }
0xb0: {  	[dreg:$0x4] =	wrdreg $0x9  }
0xb1: {  	_ =	task.clear_ibuf [dreg:s6], $0x5FFFF;
	_ =	strace $0x9000004C  }
0xb2: {  	s29 =	simm.s32 $0x9;
	_ =	strace $0x8000004E  }
0xb3: {  	_ =	swait.ge [sflag:s29], $0x1  }
0xb4: {  	[sflag:s29] =	ssyncadd.s32 $0xFFFFFFFF  }
0xb5: {  	_ =	strace $0x9000004E  }
0xb6: {  	_ =	sfence  }
0xb7: {  	s30 =	sld [smem:$0x0];
	_ =	sdelay $0x2  }
0xb8: {  	s31 =	sshll.u32 s1, $0xD;
	s1 =	sshrl.u32 s1, $0x2  }
0xb9: {  	s3 =	sand.u32 $0x4000, s31;
	s1 =	sadd.s32 s1, s30  }
0xba: {  	s0 =	sor.u32 s3, s0;
	s1 =	sshll.u32 s1, $0x11  }
0xbb: {  	s0 =	sor.u32 s1, s0  }
0xbc: {  	s0 =	sadd.s32 $0x8F2B, s0  }
0xbd: {  	[sflag:s0] =	ssyncadd.remote.s32 $0x1  }
0xbe: {  	_ =	sfence.sel $0xFFFF  }
0xbf: {  	[dreg:$0x0] =	wrdreg $0xFFFFFFFF;
	(pc) =	sbr.abs _section_cstart, $3  }
0xc0: {  	[dreg:$0x1] =	wrdreg $0xFFFFFFFF  }
0xc1: {  	_ =	task.clear_ibuf [dreg:s6], $0x2FFFF;
	_ =	strace $0x9FFFFFFF  }
0xc2: {  	(tm) =	ssettm $0x7FFFFFFF  }
0xc3: {  	_ =	shalt  }
tec
execute0_lowered:
.L_overlay_start_1:
0x0: {  	(tag) =	ssettag $0x1  }
0x1: {  	s5 =	rddreg [dreg:$0x0];
	s1 =	srdreg.scid  }
0x2: {  	s0 =	stileid.u32;
	s2 =	rddreg [dreg:$0x1];
	s3 =	simm.s32 $0x0  }
0x3: {  	s21 =	simm.s32 $0x80;
	s22 =	simm.s32 $0x1;
	s23 =	simm.s32 $0x0  }
0x4: {  	s8 =	sand.u32 $0x1, s1;
	s4 =	sshll.u32 s0, $0x1;
	s1 =	rddreg [dreg:$0x2]  }
0x5: {  	[smem:$0x7FF] =	sst s3;
	s11 =	smul.u32 $0x2800, s0;
	s16 =	sadd.s32 $0x6E00, s5  }
0x6: {  	s4 =	sor.u32 s8, s4;
	_ =	strace $0x8000004D;
	s18 =	smul.u32 $0x28000, s8  }
0x7: {  	s7 =	ssub.s32 $0x2, s8;
	s6 =	smul.u32 $0x500, s4;
	s4 =	sadd.s32 $0x1E00, s5  }
0x8: {  	s9 =	sshrl.u32 s7, $0x1;
	s12 =	sadd.s32 $0x800, s11;
	s14 =	sadd.s32 $0x1000, s11  }
0x9: {  	s15 =	sadd.s32 $0x1800, s11;
	s19 =	sadd.s32 $0x2000, s11;
	s17 =	ssub.s32 s7, s9  }
0xa: {  	s7 =	sadd.s32 s11, s2;
	s8 =	sadd.s32 s12, s2;
	s9 =	sadd.s32 s14, s2  }
0xb: {  	s10 =	sadd.s32 s15, s2;
	s13 =	sadd.s32 s11, s18;
	s12 =	sadd.s32 s18, s12  }
0xc: {  	s11 =	sadd.s32 s19, s2;
	s14 =	sadd.s32 s18, s14;
	s15 =	sadd.s32 s18, s15  }
0xd: {  	s18 =	sadd.s32 s18, s19;
	s19 =	simm.s32 $0x2800;
	s6 =	sadd.s32 s6, s5  }
0xe: {  	s13 =	sshrl.u32 s13, $0x3;
	s20 =	sshrl.u32 s12, $0x3;
	s14 =	sshrl.u32 s14, $0x3  }
0xf: {  	s15 =	sshrl.u32 s15, $0x3;
	s18 =	sshrl.u32 s18, $0x3;
	s17 =	smax.u32 s17, $0x1  }
0x10: {  	s5 =	sadd.s32 $0x2EE00, s6;
	s6 =	sadd.s32 $0x38E00, s6;
	s12 =	sadd.s32 s16, s13  }
0x11: {  	s13 =	sadd.s32 s16, s20;
	s14 =	sadd.s32 s16, s14;
	s15 =	sadd.s32 s16, s15  }
0x12: {  	v0 =	vimm.f32 $0.0e+00;
	s16 =	sadd.s32 s16, s18;
	s18 =	simm.s32 $0x2;
	s20 =	simm.s32 $0x5000  }
.LBB2_1:
0x13: {  	[tilespmem:s3], [sflag:$0x2] =	stream.linear.gather [hbm4b:s5+s3], $0x2800, $0x38;
	[tilespmem:$0x8000] =	vst v63  }
0x14: {  	_ =	swait.ge [sflag:s18], $0x2800  }
0x15: {  	[sflag:s18] =	ssyncset.done $0x0  }
0x16: {  	[sflag:s18] =	ssyncadd.s32 $0xFFFFD800  }
0x17: {  	[tilespmem:s19], [sflag:$0x2] =	stream.linear.gather [hbm4b:s6+s3], $0x2800, $0x38;
	[tilespmem:$0x8000] =	vst v63  }
0x18: {  	_ =	swait.ge [sflag:s18], $0x2800  }
0x19: {  	[sflag:s18] =	ssyncset.done $0x0  }
0x1a: {  	s24 =	simm.s32 $0x40;
	s25 =	simm.s32 $0x0;
	[sflag:s18] =	ssyncadd.s32 $0xFFFFD800  }
.LBB2_2:
0x1b: {  	p0 =	sne.s32 s24, $0x1FC0;
	[tilespmem:s25+$0x5000] =	vst v0;
	s25 =	smov.u32 s24;
	s24 =	sadd.s32 $0x40, s24  }
.Ltmp0:
0x1c: {  	(pc) =	sbr.rel @p0 .LBB2_2-.Ltmp0, $2  }
0x1d: {  	_ =	sdelay $0x2  }
0x1e: {  	s25 =	sshra.s32 s25, $0x2  }
0x1f: {  	[tilespmem:s25+$0x5000] =	vst v0  }
0x20: {  	[spmem:s7] =	stream.linear.scatter [tilespmem:s20], [sflag:$0x2], $0x800, $0x38;
	[tilespmem:$0x8000] =	vst v63  }
0x21: {  	_ =	swait.ge [sflag:s18], $0x800  }
0x22: {  	[sflag:s18] =	ssyncset.done $0x0  }
0x23: {  	[sflag:s18] =	ssyncadd.s32 $0xFFFFF800  }
0x24: {  	[spmem:s8] =	stream.linear.scatter [tilespmem:s20], [sflag:$0x2], $0x800, $0x38;
	[tilespmem:$0x8000] =	vst v63  }
0x25: {  	_ =	swait.ge [sflag:s18], $0x800  }
0x26: {  	[sflag:s18] =	ssyncset.done $0x0  }
0x27: {  	[sflag:s18] =	ssyncadd.s32 $0xFFFFF800  }
0x28: {  	[spmem:s9] =	stream.linear.scatter [tilespmem:s20], [sflag:$0x2], $0x800, $0x38;
	[tilespmem:$0x8000] =	vst v63  }
0x29: {  	_ =	swait.ge [sflag:s18], $0x800  }
0x2a: {  	[sflag:s18] =	ssyncset.done $0x0  }
0x2b: {  	[sflag:s18] =	ssyncadd.s32 $0xFFFFF800  }
0x2c: {  	[spmem:s10] =	stream.linear.scatter [tilespmem:s20], [sflag:$0x2], $0x800, $0x38;
	[tilespmem:$0x8000] =	vst v63  }
0x2d: {  	_ =	swait.ge [sflag:s18], $0x800  }
0x2e: {  	[sflag:s18] =	ssyncset.done $0x0  }
0x2f: {  	[sflag:s18] =	ssyncadd.s32 $0xFFFFF800  }
0x30: {  	[spmem:s11] =	stream.linear.scatter [tilespmem:s20], [sflag:$0x2], $0x800, $0x38;
	[tilespmem:$0x8000] =	vst v63  }
0x31: {  	_ =	swait.ge [sflag:s18], $0x800  }
0x32: {  	[sflag:s18] =	ssyncset.done $0x0  }
0x33: {  	[sflag:s18] =	ssyncadd.s32 $0xFFFFF800  }
0x34: {  	s24 =	simm.s32 $0x0;
	[bflag:$0x0] =	sbarrier.arrive $0xFFFF  }
0x35: {  	[tilespmem:s20], [sflag:$0x1] =	stream.indirect.gather [hbm4b:s4+s21], $0x10, s24, s21, $0xb8;
	[tilespmem:$0x8000] =	vst v63  }
0x36: {  	_ =	swait.ge [sflag:s22], $0x800  }
0x37: {  	[sflag:s22] =	ssyncset.done $0x0  }
0x38: {  	s31 =	simm.s32 $0x2800;
	[sflag:s22] =	ssyncadd.s32 $0xFFFFF800  }
0x39: {  	[spmem:s2] =	stream.indirect.scatter.add.f32 [tilespmem:s20], [sflag:$0x2], $0x10, s31, s21, $0xb8;
	[tilespmem:$0x8000] =	vst v63  }
0x3a: {  	_ =	swait.ge [sflag:s18], $0x800  }
0x3b: {  	s25 =	simm.s32 $0x400;
	s24 =	simm.s32 $0x200;
	[sflag:s18] =	ssyncset.done $0x0  }
.LBB2_4:
0x3c: {  	s26 =	sshra.s32 s24, $0x2  }
0x3d: {  	[sflag:s18] =	ssyncadd.s32 $0xFFFFF800;
	s24 =	smov.u32 s25;
	s28 =	sadd.s32 $0x200, s25  }
0x3e: {  	[tilespmem:s20], [sflag:$0x1] =	stream.indirect.gather [hbm4b:s4+s21], $0x10, s26, s21, $0xb8;
	[tilespmem:$0x8000] =	vst v63  }
0x3f: {  	p0 =	sne.s32 s25, $0x9E00;
	_ =	swait.ge [sflag:s22], $0x800  }
.Ltmp1:
0x40: {  	[sflag:s22] =	ssyncset.done $0x0;
	(pc) =	sbr.rel @p0 .LBB2_4-.Ltmp1, $4  }
0x41: {  	s25 =	sadd.s32 $0x2800, s26;
	[sflag:s22] =	ssyncadd.s32 $0xFFFFF800  }
0x42: {  	[spmem:s2] =	stream.indirect.scatter.add.f32 [tilespmem:s20], [sflag:$0x2], $0x10, s25, s21, $0xb8;
	[tilespmem:$0x8000] =	vst v63  }
0x43: {  	_ =	swait.ge [sflag:s18], $0x800  }
0x44: {  	s25 =	smov.u32 s28;
	[sflag:s18] =	ssyncset.done $0x0  }
0x45: {  	s24 =	sshra.s32 s24, $0x2;
	[sflag:s18] =	ssyncadd.s32 $0xFFFFF800  }
0x46: {  	[tilespmem:s20], [sflag:$0x1] =	stream.indirect.gather [hbm4b:s4+s21], $0x10, s24, s21, $0xb8;
	[tilespmem:$0x8000] =	vst v63  }
0x47: {  	_ =	swait.ge [sflag:s22], $0x800  }
0x48: {  	[sflag:s22] =	ssyncset.done $0x0  }
0x49: {  	s24 =	sadd.s32 $0x2800, s24;
	[sflag:s22] =	ssyncadd.s32 $0xFFFFF800  }
0x4a: {  	[spmem:s2] =	stream.indirect.scatter.add.f32 [tilespmem:s20], [sflag:$0x2], $0x10, s24, s21, $0xb8;
	[tilespmem:$0x8000] =	vst v63  }
0x4b: {  	_ =	swait.ge [sflag:s18], $0x800  }
0x4c: {  	[sflag:s18] =	ssyncset.done $0x0  }
0x4d: {  	s26 =	sshll.u32 s0, $0x6;
	[sflag:s18] =	ssyncadd.s32 $0xFFFFF800  }
0x4e: {  	s25 =	sshrl.u32 s7, $0x3;
	s24 =	sor.u32 $0x1C02, s26;
	[bflag:$0x0] =	sbarrier.arrive $0xFFFF  }
0x4f: {  	[hbm:s12], [sflag:s24] =	dma.local [spmem:s25], $0x100  }
0x50: {  	_ =	swait.ge [sflag:s18], $0x100  }
0x51: {  	[sflag:s18] =	ssyncset.done $0x0  }
0x52: {  	s28 =	sshrl.u32 s8, $0x3;
	[sflag:s18] =	ssyncadd.s32 $0xFFFFFF00  }
0x53: {  	[hbm:s13], [sflag:s24] =	dma.local [spmem:s28], $0x100  }
0x54: {  	_ =	swait.ge [sflag:s18], $0x100  }
0x55: {  	[sflag:s18] =	ssyncset.done $0x0  }
0x56: {  	s29 =	sshrl.u32 s9, $0x3;
	[sflag:s18] =	ssyncadd.s32 $0xFFFFFF00  }
0x57: {  	[hbm:s14], [sflag:s24] =	dma.local [spmem:s29], $0x100  }
0x58: {  	_ =	swait.ge [sflag:s18], $0x100  }
0x59: {  	[sflag:s18] =	ssyncset.done $0x0  }
0x5a: {  	s30 =	sshrl.u32 s10, $0x3;
	[sflag:s18] =	ssyncadd.s32 $0xFFFFFF00  }
0x5b: {  	[hbm:s15], [sflag:s24] =	dma.local [spmem:s30], $0x100  }
0x5c: {  	s23 =	sadd.s32 $0x1, s23;
	_ =	swait.ge [sflag:s18], $0x100  }
0x5d: {  	p0 =	sne.s32 s23, s17;
	[sflag:s18] =	ssyncset.done $0x0  }
.Ltmp2:
0x5e: {  	s31 =	sshrl.u32 s11, $0x3;
	[sflag:s18] =	ssyncadd.s32 $0xFFFFFF00;
	(pc) =	sbr.rel @p0 .LBB2_1-.Ltmp2, $4  }
0x5f: {  	[hbm:s16], [sflag:s24] =	dma.local [spmem:s31], $0x100  }
0x60: {  	_ =	swait.ge [sflag:s18], $0x100  }
0x61: {  	[sflag:s18] =	ssyncset.done $0x0  }
0x62: {  	[sflag:s18] =	ssyncadd.s32 $0xFFFFFF00  }
0x63: {  	_ =	sfence.sel $0x180000  }
0x64: {  	[bflag:$0x0] =	sbarrier.arrive $0xFFFF  }
0x65: {  	p0 =	sne.s32 s0, $0x0;
	_ =	strace $0x9000004D  }
0x66: {  	s0 =	sadd.s32 @!p0 $0x100000, s1;
	[bflag:$0x2] =	sbarrier.arrive $0xFFFF  }
0x67: {  	[sflag:s0] =	ssyncadd.tile.s32 @!p0 $0x1;
	_ =	shalt  }
.Lfunc_end2:
_tile_overlayer_lowered:
.L_overlay_start_2:
0x68: {  	(tag) =	ssettag $0x2  }
0x69: {  	s0 =	rddreg [dreg:$0x0];
	s2 =	stileid.u32  }
0x6a: {  	s1 =	rddreg [dreg:$0x1];
	p0 =	sne.s32 s2, $0x0  }
0x6b: {  	s3 =	rddreg [dreg:$0x2];
	[bflag:$0x3] =	sbarrier.arrive $0xFFFF;
	s2 =	simm.s32 @!p0 $0x1C02  }
0x6c: {  	[timem:s3], [sflag:s2] =	dma.local @!p0 [hbm:s0], s1  }
0x6d: {  	s0 =	simm.s32 @!p0 $0x2  }
0x6e: {  	_ =	swait.ge @!p0 [sflag:s0], s1  }
0x6f: {  	s1 =	ssub.s32 @!p0 $0x0, s1;
	[sflag:s0] =	ssyncset.done @!p0 $0x0  }
0x70: {  	[sflag:s0] =	ssyncadd.s32 @!p0 s1  }
0x71: {  	[bflag:$0x3] =	sbarrier.arrive $0xFFFF  }
0x72: {  	_ =	shalt  }

// kernel: kernel.9.cloned.1.call-start
scs
__scs_entry_jumppad:
0x0: {  	(pc) =	sbr.rel $0x88, $3  }
0x1: {  	(tag) =	ssettag $0x0;
	lr =	simm.s32 $0x1  }
0x2: {  	[smem:$0x3F96] =	sst lr;
	_ =	strace $0xD0000000  }
0x3: {  	_ = 	snop  }
0x4: {  	_ = 	snop  }
0x5: {  	_ = 	snop  }
0x6: {  	_ = 	snop  }
0x7: {  	_ = 	snop  }
__scs_overlays_trampoline_lowered:
0x8: {  	[smem:$0x3FA5] =	sst s0  }
0x9: {  	[smem:$0x3FA6] =	sst s1  }
0xa: {  	[smem:$0x3FA7] =	sst s2  }
0xb: {  	[smem:$0x3FA8] =	sst s3  }
0xc: {  	[smem:$0x3FA9] =	sst s4  }
0xd: {  	[smem:$0x3FAA] =	sst s5  }
0xe: {  	[smem:$0x3FAB] =	sst s6  }
0xf: {  	[smem:$0x3FAC] =	sst s7  }
0x10: {  	[smem:$0x3FAD] =	sst s8  }
0x11: {  	[smem:$0x3FAE] =	sst s9;
	s0 =	simm.s32 @!p0 $0x0  }
0x12: {  	s1 =	sld [smem:$0x3F94];
	s0 =	simm.s32 @p0 $0x1  }
0x13: {  	[smem:$0x3FAF] =	sst s0;
	s0 =	simm.s32 @!p1 $0x0  }
0x14: {  	s2 =	sld [smem:$0x3F93];
	s0 =	simm.s32 @p1 $0x1  }
0x15: {  	[smem:$0x3FB0] =	sst s0;
	s0 =	simm.s32 @!p2 $0x0  }
0x16: {  	s3 =	sld [smem:$0x3FDB];
	s0 =	simm.s32 @p2 $0x1  }
0x17: {  	s4 =	simm.s32 $0x1BF5;
	[smem:$0x3FB2] =	sst s0  }
0x18: {  	s0 =	sld [smem:$0x3F95];
	_ =	swait.ge [sflag:s4], $0x0  }
0x19: {  	s7 =	sld [smem:$0x3F96]  }
0x1a: {  	s8 =	sadd.s32 $0xFFFFE003, lr  }
0x1b: {  	s9 =	sadd.s32 $0xFFFFFEF7, lr;
	s5 =	simm.s32 $0xFFFFFFFF;
	p2 =	slt.u32 s8, $0xFFFFF086  }
0x1c: {  	p1 =	slt.u32 s9, $0xF7A;
	s5 =	simm.s32 @!p2 $0x0  }
0x1d: {  	s5 =	simm.s32 @p1 $0x1;
	p0 =	seq.s32 s7, s2  }
0x1e: {  	s7 =	smul.u32 @!p0 $0xF7A, s2;
	p2 =	seq.s32 @!p0 s5, $0x0  }
0x1f: {  	s9 =	smul.u32 $0xF7A, s1;
	s8 =	simm.s32 @!p0 $0x1BF5;
	p2 =	por !p2, p0  }
0x20: {  	[sflag:s8] =	ssyncset.s32 @!p0 $0xFFFFF086;
	s6 =	sadd.s32 @!p0 s3, s7;
	s7 =	simm.s32 @!p0 $0x108  }
0x21: {  	s3 =	sadd.s32 s3, s9;
	s6 =	sadd.s32 @!p0 $0x88, s6;
	s7 =	simm.s32 @p2 $0x1082  }
0x22: {  	[simem:s7], [sflag:s8] =	dma.local @!p0 [hbm:s6], $0xF7A  }
0x23: {  	s9 =	sor.u32 $0xD0000000, s2;
	s6 =	simm.s32 $0x108;
	_ =	swait.ge @!p0 [sflag:s8], $0x0  }
0x24: {  	s3 =	sadd.s32 $0x88, s3;
	s6 =	simm.s32 @!p1 $0x1082;
	[sflag:s4] =	ssyncset.s32 $0xFFFFF086  }
0x25: {  	[simem:s6], [sflag:s4] =	dma.local [hbm:s3], $0xF7A  }
0x26: {  	[smem:$0x3F96] =	sst s1;
	(tag) =	ssettag s2;
	_ =	strace s9  }
0x27: {  	s1 =	sld [smem:$0x3FA6]  }
0x28: {  	s2 =	sld [smem:$0x3FA7]  }
0x29: {  	s4 =	sld [smem:$0x3FA9]  }
0x2a: {  	p0 =	seq.s32 s5, $0x0;
	s5 =	sld [smem:$0x3FAA]  }
0x2b: {  	s6 =	sld [smem:$0x3FAB]  }
0x2c: {  	s7 =	sld [smem:$0x3FAC]  }
0x2d: {  	s3 =	simm.s32 $0x108;
	s8 =	sld [smem:$0x3FAD]  }
0x2e: {  	s3 =	simm.s32 @!p0 $0x1082;
	s9 =	sld [smem:$0x3FAE]  }
0x2f: {  	lr =	sadd.s32 s0, s3;
	s0 =	sld [smem:$0x3FA5]  }
0x30: {  	s3 =	sld [smem:$0x3FA8]  }
0x31: {  	[smem:$0x3FB1] =	sst s10  }
0x32: {  	s10 =	sld [smem:$0x3FAF];
	_ =	sdelay $0x3  }
0x33: {  	p0 =	seq.s32 s10, $0x1;
	s10 =	sld [smem:$0x3FB1];
	_ =	sdelay $0x3  }
0x34: {  	[smem:$0x3FB1] =	sst s10  }
0x35: {  	s10 =	sld [smem:$0x3FB0];
	_ =	sdelay $0x3  }
0x36: {  	p1 =	seq.s32 s10, $0x1;
	s10 =	sld [smem:$0x3FB1];
	_ =	sdelay $0x3  }
0x37: {  	[smem:$0x3FB1] =	sst s10  }
0x38: {  	s10 =	sld [smem:$0x3FB2]  }
0x39: {  	_ = 	snop;
	(pc) =	sbr.ind lr, $3  }
0x3a: {  	_ = 	snop  }
0x3b: {  	_ = 	snop  }
0x3c: {  	p2 =	seq.s32 s10, $0x1;
	s10 =	sld [smem:$0x3FB1]  }
0x3d: {  	_ =	shalt  }
0x3e: {  	_ =	shalt  }
0x3f: {  	_ =	shalt  }
0x40: {  	_ =	shalt  }
0x41: {  	_ =	shalt  }
0x42: {  	_ =	shalt  }
0x43: {  	_ =	shalt  }
0x44: {  	_ =	shalt  }
0x45: {  	_ =	shalt  }
0x46: {  	_ =	shalt  }
0x47: {  	_ =	shalt  }
0x48: {  	_ =	shalt  }
0x49: {  	_ =	shalt  }
0x4a: {  	_ =	shalt  }
0x4b: {  	_ =	shalt  }
0x4c: {  	_ =	shalt  }
0x4d: {  	_ =	shalt  }
0x4e: {  	_ =	shalt  }
0x4f: {  	_ =	shalt  }
0x50: {  	_ =	shalt  }
0x51: {  	_ =	shalt  }
0x52: {  	_ =	shalt  }
0x53: {  	_ =	shalt  }
0x54: {  	_ =	shalt  }
0x55: {  	_ =	shalt  }
0x56: {  	_ =	shalt  }
0x57: {  	_ =	shalt  }
0x58: {  	_ =	shalt  }
0x59: {  	_ =	shalt  }
0x5a: {  	_ =	shalt  }
0x5b: {  	_ =	shalt  }
0x5c: {  	_ =	shalt  }
0x5d: {  	_ =	shalt  }
0x5e: {  	_ =	shalt  }
0x5f: {  	_ =	shalt  }
0x60: {  	_ =	shalt  }
0x61: {  	_ =	shalt  }
0x62: {  	_ =	shalt  }
0x63: {  	_ =	shalt  }
0x64: {  	_ =	shalt  }
0x65: {  	_ =	shalt  }
0x66: {  	_ =	shalt  }
0x67: {  	_ =	shalt  }
0x68: {  	_ =	shalt  }
0x69: {  	_ =	shalt  }
0x6a: {  	_ =	shalt  }
0x6b: {  	_ =	shalt  }
0x6c: {  	_ =	shalt  }
0x6d: {  	_ =	shalt  }
0x6e: {  	_ =	shalt  }
0x6f: {  	_ =	shalt  }
0x70: {  	_ =	shalt  }
0x71: {  	_ =	shalt  }
0x72: {  	_ =	shalt  }
0x73: {  	_ =	shalt  }
0x74: {  	_ =	shalt  }
0x75: {  	_ =	shalt  }
0x76: {  	_ =	shalt  }
0x77: {  	_ =	shalt  }
0x78: {  	_ =	shalt  }
0x79: {  	_ =	shalt  }
0x7a: {  	_ =	shalt  }
0x7b: {  	_ =	shalt  }
0x7c: {  	_ =	shalt  }
0x7d: {  	_ =	shalt  }
0x7e: {  	_ =	shalt  }
0x7f: {  	_ =	shalt  }
0x80: {  	_ =	shalt  }
0x81: {  	_ =	shalt  }
0x82: {  	_ =	shalt  }
0x83: {  	_ =	shalt  }
0x84: {  	_ =	shalt  }
0x85: {  	_ =	shalt  }
0x86: {  	_ =	shalt  }
0x87: {  	_ =	shalt  }
.Lfunc_end0:
.L_simem_size_0:
called_computation_lowered:
.L_overlay_start_0:
0x88: {  	s2 =	sld [smem:$0x3FD9]  }
0x89: {  	s3 =	sld [smem:$0x3FFE];
	_ =	sdelay $0x1  }
0x8a: {  	s1 =	srdreg.scid  }
0x8b: {  	s0 =	sand.u32 $0x1, s1  }
0x8c: {  	s16 =	sshll.u32 s0, $0xA;
	s2 =	sadd.s32 s3, s2  }
0x8d: {  	s2 =	sadd.s32 s2, s16  }
0x8e: {  	[smem:$0x3FBD] =	sst s2  }
0x8f: {  	_ = 	snop  }
0x90: {  	(tm) =	ssettm $0x1  }
0x91: {  	s17 =	sld [smem:$0x3FFB];
	_ =	sdelay $0x3  }
0x92: {  	_ =	strace s17  }
0x93: {  	s2 =	sld [smem:$0x3FFC];
	_ =	sdelay $0x3  }
0x94: {  	_ =	strace s2  }
0x95: {  	s2 =	sld [smem:$0x3FFD];
	_ =	sdelay $0x3  }
0x96: {  	_ =	strace s2  }
0x97: {  	_ =	strace $0x8FFFFFFF  }
0x98: {  	s18 =	sld [smem:$0x3FDB];
	_ =	sdelay $0x1  }
0x99: {  	s19 =	simm.s32 $_scs_section_size  }
0x9a: {  	s4 =	simm.s32 $_size__tile_overlayer_lowered;
	s5 =	simm.s32 $_tile_overlayer_lowered  }
0x9b: {  	s22 =	simm.s32 $0x1BFF;
	s21 =	sshll.u32 s5, $0x1;
	s2 =	sadd.s32 s19, s18  }
0x9c: {  	s6 =	simm.s32 $0x0;
	s20 =	sshll.u32 s4, $0x1;
	s4 =	sadd.s32 s21, s2  }
0x9d: {  	[timem:s6], [sflag:s22] =	dma.local [hbm:s4], s20  }
0x9e: {  	_ =	swait.ge [sflag:s22], s20  }
0x9f: {  	s3 =	ssub.s32 $0x0, s20;
	[sflag:s22] =	ssyncset.done $0x0  }
0xa0: {  	[sflag:s22] =	ssyncadd.s32 s3;
	_ =	sdelay $0x1  }
0xa1: {  	s23 =	simm.s32 $0x1B8B  }
0xa2: {  	_ =	swait.ge [sflag:s23], $0x1  }
0xa3: {  	[sflag:s23] =	ssyncset.done $0x0  }
0xa4: {  	s25 =	simm.s32 $0x1B8E;
	s24 =	sld [smem:$0x3FFE];
	[sflag:s23] =	ssyncadd.s32 $0xFFFFFFFF  }
0xa5: {  	s26 =	simm.s32 $execute0_lowered;
	[smem:$0x3FD2] =	sst s25  }
0xa6: {  	s4 =	sshll.u32 s26, $0x1;
	_ =	strace $0x80000046;
	[dreg:$0x1] =	wrdreg $0xFFFFFFFF  }
0xa7: {  	s28 =	simm.s32 $_size_execute0_lowered;
	s2 =	sadd.s32 s2, s4;
	[dreg:$0x0] =	wrdreg $0x0  }
0xa8: {  	s4 =	sshll.u32 s28, $0x1;
	[dreg:$0x2] =	wrdreg s2  }
0xa9: {  	[dreg:$0x3] =	wrdreg s4  }
0xaa: {  	[dreg:$0x4] =	wrdreg $0xC0  }
0xab: {  	_ =	task [dreg:s6], $0x5FFFF  }
0xac: {  	[dreg:$0x1] =	wrdreg $0xFFFFFFFF  }
0xad: {  	[dreg:$0x0] =	wrdreg $0x60  }
0xae: {  	[dreg:$0x2] =	wrdreg s24  }
0xaf: {  	[dreg:$0x3] =	wrdreg $0x98000  }
0xb0: {  	[dreg:$0x4] =	wrdreg $0x9  }
0xb1: {  	_ =	task.clear_ibuf [dreg:s6], $0x5FFFF;
	_ =	strace $0x90000046  }
0xb2: {  	s29 =	simm.s32 $0x9;
	_ =	strace $0x80000048  }
0xb3: {  	_ =	swait.ge [sflag:s29], $0x1  }
0xb4: {  	[sflag:s29] =	ssyncadd.s32 $0xFFFFFFFF  }
0xb5: {  	_ =	strace $0x90000048  }
0xb6: {  	_ =	sfence  }
0xb7: {  	s30 =	sld [smem:$0x0];
	_ =	sdelay $0x2  }
0xb8: {  	s31 =	sshll.u32 s1, $0xD;
	s1 =	sshrl.u32 s1, $0x2  }
0xb9: {  	s3 =	sand.u32 $0x4000, s31;
	s1 =	sadd.s32 s1, s30  }
0xba: {  	s0 =	sor.u32 s3, s0;
	s1 =	sshll.u32 s1, $0x11  }
0xbb: {  	s0 =	sor.u32 s1, s0  }
0xbc: {  	s0 =	sadd.s32 $0x8F2B, s0  }
0xbd: {  	[sflag:s0] =	ssyncadd.remote.s32 $0x1  }
0xbe: {  	_ =	sfence.sel $0xFFFF  }
0xbf: {  	[dreg:$0x0] =	wrdreg $0xFFFFFFFF;
	(pc) =	sbr.abs _section_cstart, $3  }
0xc0: {  	[dreg:$0x1] =	wrdreg $0xFFFFFFFF  }
0xc1: {  	_ =	task.clear_ibuf [dreg:s6], $0x2FFFF;
	_ =	strace $0x9FFFFFFF  }
0xc2: {  	(tm) =	ssettm $0x7FFFFFFF  }
0xc3: {  	_ =	shalt  }
tec
execute0_lowered:
.L_overlay_start_1:
0x0: {  	(tag) =	ssettag $0x1  }
0x1: {  	s5 =	rddreg [dreg:$0x0];
	s1 =	srdreg.scid  }
0x2: {  	s0 =	stileid.u32;
	s2 =	rddreg [dreg:$0x1];
	s3 =	simm.s32 $0x0  }
0x3: {  	s21 =	simm.s32 $0x80;
	s22 =	simm.s32 $0x1;
	s23 =	simm.s32 $0x0  }
0x4: {  	s8 =	sand.u32 $0x1, s1;
	s4 =	sshll.u32 s0, $0x1;
	s1 =	rddreg [dreg:$0x2]  }
0x5: {  	[smem:$0x7FF] =	sst s3;
	s11 =	smul.u32 $0x16800, s0;
	s16 =	sadd.s32 $0x42E00, s5  }
0x6: {  	s4 =	sor.u32 s8, s4;
	_ =	strace $0x80000047;
	s18 =	smul.u32 $0x168000, s8  }
0x7: {  	s7 =	ssub.s32 $0x2, s8;
	s6 =	smul.u32 $0x500, s4;
	s4 =	sadd.s32 $0x1E00, s5  }
0x8: {  	s9 =	sshrl.u32 s7, $0x1;
	s12 =	sadd.s32 $0x4800, s11;
	s14 =	sadd.s32 $0x9000, s11  }
0x9: {  	s15 =	sadd.s32 $0xD800, s11;
	s19 =	sadd.s32 $0x12000, s11;
	s17 =	ssub.s32 s7, s9  }
0xa: {  	s7 =	sadd.s32 s11, s2;
	s8 =	sadd.s32 s12, s2;
	s9 =	sadd.s32 s14, s2  }
0xb: {  	s10 =	sadd.s32 s15, s2;
	s13 =	sadd.s32 s11, s18;
	s12 =	sadd.s32 s18, s12  }
0xc: {  	s11 =	sadd.s32 s19, s2;
	s14 =	sadd.s32 s18, s14;
	s15 =	sadd.s32 s18, s15  }
0xd: {  	s18 =	sadd.s32 s18, s19;
	s19 =	simm.s32 $0x2800;
	s6 =	sadd.s32 s6, s5  }
0xe: {  	s13 =	sshrl.u32 s13, $0x3;
	s20 =	sshrl.u32 s12, $0x3;
	s14 =	sshrl.u32 s14, $0x3  }
0xf: {  	s15 =	sshrl.u32 s15, $0x3;
	s18 =	sshrl.u32 s18, $0x3;
	s17 =	smax.u32 s17, $0x1  }
0x10: {  	s5 =	sadd.s32 $0x2EE00, s6;
	s6 =	sadd.s32 $0x38E00, s6;
	s12 =	sadd.s32 s16, s13  }
0x11: {  	s13 =	sadd.s32 s16, s20;
	s14 =	sadd.s32 s16, s14;
	s15 =	sadd.s32 s16, s15  }
0x12: {  	v0 =	vimm.f32 $0.0e+00;
	s16 =	sadd.s32 s16, s18;
	s18 =	simm.s32 $0x2;
	s20 =	simm.s32 $0x5000  }
.LBB2_1:
0x13: {  	[tilespmem:s3], [sflag:$0x2] =	stream.linear.gather [hbm4b:s5+s3], $0x2800, $0x38;
	v63 =	vld [tilespmem:$0x0]  }
0x14: {  	_ =	swait.ge [sflag:s18], $0x2800  }
0x15: {  	[sflag:s18] =	ssyncset.done $0x0  }
0x16: {  	[sflag:s18] =	ssyncadd.s32 $0xFFFFD800  }
0x17: {  	[tilespmem:s19], [sflag:$0x2] =	stream.linear.gather [hbm4b:s6+s3], $0x2800, $0x38;
	v63 =	vld [tilespmem:$0x0]  }
0x18: {  	_ =	swait.ge [sflag:s18], $0x2800  }
0x19: {  	[sflag:s18] =	ssyncset.done $0x0  }
0x1a: {  	s24 =	simm.s32 $0x0;
	s25 =	simm.s32 $0x240;
	[sflag:s18] =	ssyncadd.s32 $0xFFFFD800  }
.LBB2_2:
0x1b: {  	p0 =	sne.s32 s25, $0x11DC0;
	[tilespmem:s24+$0x5080] =	vst v0  }
0x1c: {  	[tilespmem:s24+$0x5000] =	vst v0  }
0x1d: {  	[tilespmem:s24+$0x5010] =	vst v0  }
0x1e: {  	[tilespmem:s24+$0x5020] =	vst v0  }
.Ltmp0:
0x1f: {  	[tilespmem:s24+$0x5030] =	vst v0;
	(pc) =	sbr.rel @p0 .LBB2_2-.Ltmp0, $4  }
0x20: {  	[tilespmem:s24+$0x5040] =	vst v0  }
0x21: {  	[tilespmem:s24+$0x5050] =	vst v0  }
0x22: {  	[tilespmem:s24+$0x5060] =	vst v0  }
0x23: {  	[tilespmem:s24+$0x5070] =	vst v0;
	s24 =	sshra.s32 s25, $0x2;
	s25 =	sadd.s32 $0x240, s25  }
0x24: {  	[tilespmem:s24+$0x5080] =	vst v0  }
0x25: {  	[tilespmem:s24+$0x5000] =	vst v0  }
0x26: {  	[tilespmem:s24+$0x5010] =	vst v0  }
0x27: {  	[tilespmem:s24+$0x5020] =	vst v0  }
0x28: {  	[tilespmem:s24+$0x5030] =	vst v0  }
0x29: {  	[tilespmem:s24+$0x5040] =	vst v0  }
0x2a: {  	[tilespmem:s24+$0x5050] =	vst v0  }
0x2b: {  	[tilespmem:s24+$0x5060] =	vst v0  }
0x2c: {  	[tilespmem:s24+$0x5070] =	vst v0  }
0x2d: {  	[spmem:s7] =	stream.linear.scatter [tilespmem:s20], [sflag:$0x2], $0x4800, $0x38;
	v63 =	vld [tilespmem:$0x0]  }
0x2e: {  	_ =	swait.ge [sflag:s18], $0x4800  }
0x2f: {  	[sflag:s18] =	ssyncset.done $0x0  }
0x30: {  	[sflag:s18] =	ssyncadd.s32 $0xFFFFB800  }
0x31: {  	[spmem:s8] =	stream.linear.scatter [tilespmem:s20], [sflag:$0x2], $0x4800, $0x38;
	v63 =	vld [tilespmem:$0x0]  }
0x32: {  	_ =	swait.ge [sflag:s18], $0x4800  }
0x33: {  	[sflag:s18] =	ssyncset.done $0x0  }
0x34: {  	[sflag:s18] =	ssyncadd.s32 $0xFFFFB800  }
0x35: {  	[spmem:s9] =	stream.linear.scatter [tilespmem:s20], [sflag:$0x2], $0x4800, $0x38;
	v63 =	vld [tilespmem:$0x0]  }
0x36: {  	_ =	swait.ge [sflag:s18], $0x4800  }
0x37: {  	[sflag:s18] =	ssyncset.done $0x0  }
0x38: {  	[sflag:s18] =	ssyncadd.s32 $0xFFFFB800  }
0x39: {  	[spmem:s10] =	stream.linear.scatter [tilespmem:s20], [sflag:$0x2], $0x4800, $0x38;
	v63 =	vld [tilespmem:$0x0]  }
0x3a: {  	_ =	swait.ge [sflag:s18], $0x4800  }
0x3b: {  	[sflag:s18] =	ssyncset.done $0x0  }
0x3c: {  	[sflag:s18] =	ssyncadd.s32 $0xFFFFB800  }
0x3d: {  	[spmem:s11] =	stream.linear.scatter [tilespmem:s20], [sflag:$0x2], $0x4800, $0x38;
	v63 =	vld [tilespmem:$0x0]  }
0x3e: {  	_ =	swait.ge [sflag:s18], $0x4800  }
0x3f: {  	[sflag:s18] =	ssyncset.done $0x0  }
0x40: {  	[sflag:s18] =	ssyncadd.s32 $0xFFFFB800  }
0x41: {  	s30 =	simm.s32 $0x0;
	[bflag:$0x0] =	sbarrier.arrive $0xFFFF  }
0x42: {  	[tilespmem:s20], [sflag:$0x1] =	stream.indirect.gather [hbm4b:s4+s21], $0x90, s30, s21, $0xb8;
	v63 =	vld [tilespmem:$0x0]  }
0x43: {  	_ =	swait.ge [sflag:s22], $0x4800  }
0x44: {  	[sflag:s22] =	ssyncset.done $0x0  }
0x45: {  	s31 =	simm.s32 $0x2800;
	[sflag:s22] =	ssyncadd.s32 $0xFFFFB800  }
0x46: {  	[spmem:s2] =	stream.indirect.scatter.add.f32 [tilespmem:s20], [sflag:$0x2], $0x90, s31, s21, $0xb8;
	v63 =	vld [tilespmem:$0x0]  }
0x47: {  	_ =	swait.ge [sflag:s18], $0x4800  }
0x48: {  	s24 =	simm.s32 $0x200;
	s25 =	simm.s32 $0x400;
	[sflag:s18] =	ssyncset.done $0x0  }
.LBB2_4:
0x49: {  	s26 =	sshra.s32 s24, $0x2  }
0x4a: {  	[sflag:s18] =	ssyncadd.s32 $0xFFFFB800;
	s24 =	smov.u32 s25;
	s28 =	sadd.s32 $0x200, s25  }
0x4b: {  	[tilespmem:s20], [sflag:$0x1] =	stream.indirect.gather [hbm4b:s4+s21], $0x90, s26, s21, $0xb8;
	v63 =	vld [tilespmem:$0x0]  }
0x4c: {  	p0 =	sne.s32 s25, $0x9E00;
	_ =	swait.ge [sflag:s22], $0x4800  }
.Ltmp1:
0x4d: {  	[sflag:s22] =	ssyncset.done $0x0;
	(pc) =	sbr.rel @p0 .LBB2_4-.Ltmp1, $4  }
0x4e: {  	s25 =	sadd.s32 $0x2800, s26;
	[sflag:s22] =	ssyncadd.s32 $0xFFFFB800  }
0x4f: {  	[spmem:s2] =	stream.indirect.scatter.add.f32 [tilespmem:s20], [sflag:$0x2], $0x90, s25, s21, $0xb8;
	v63 =	vld [tilespmem:$0x0]  }
0x50: {  	_ =	swait.ge [sflag:s18], $0x4800  }
0x51: {  	s25 =	smov.u32 s28;
	[sflag:s18] =	ssyncset.done $0x0  }
0x52: {  	s24 =	sshra.s32 s24, $0x2;
	[sflag:s18] =	ssyncadd.s32 $0xFFFFB800  }
0x53: {  	[tilespmem:s20], [sflag:$0x1] =	stream.indirect.gather [hbm4b:s4+s21], $0x90, s24, s21, $0xb8;
	v63 =	vld [tilespmem:$0x0]  }
0x54: {  	_ =	swait.ge [sflag:s22], $0x4800  }
0x55: {  	[sflag:s22] =	ssyncset.done $0x0  }
0x56: {  	s24 =	sadd.s32 $0x2800, s24;
	[sflag:s22] =	ssyncadd.s32 $0xFFFFB800  }
0x57: {  	[spmem:s2] =	stream.indirect.scatter.add.f32 [tilespmem:s20], [sflag:$0x2], $0x90, s24, s21, $0xb8;
	v63 =	vld [tilespmem:$0x0]  }
0x58: {  	_ =	swait.ge [sflag:s18], $0x4800  }
0x59: {  	[sflag:s18] =	ssyncset.done $0x0  }
0x5a: {  	s26 =	sshll.u32 s0, $0x6;
	[sflag:s18] =	ssyncadd.s32 $0xFFFFB800  }
0x5b: {  	s25 =	sshrl.u32 s7, $0x3;
	s24 =	sor.u32 $0x1C02, s26;
	[bflag:$0x0] =	sbarrier.arrive $0xFFFF  }
0x5c: {  	[hbm:s12], [sflag:s24] =	dma.local [spmem:s25], $0x900  }
0x5d: {  	_ =	swait.ge [sflag:s18], $0x900  }
0x5e: {  	[sflag:s18] =	ssyncset.done $0x0  }
0x5f: {  	s28 =	sshrl.u32 s8, $0x3;
	[sflag:s18] =	ssyncadd.s32 $0xFFFFF700  }
0x60: {  	[hbm:s13], [sflag:s24] =	dma.local [spmem:s28], $0x900  }
0x61: {  	_ =	swait.ge [sflag:s18], $0x900  }
0x62: {  	[sflag:s18] =	ssyncset.done $0x0  }
0x63: {  	s29 =	sshrl.u32 s9, $0x3;
	[sflag:s18] =	ssyncadd.s32 $0xFFFFF700  }
0x64: {  	[hbm:s14], [sflag:s24] =	dma.local [spmem:s29], $0x900  }
0x65: {  	_ =	swait.ge [sflag:s18], $0x900  }
0x66: {  	[sflag:s18] =	ssyncset.done $0x0  }
0x67: {  	s30 =	sshrl.u32 s10, $0x3;
	[sflag:s18] =	ssyncadd.s32 $0xFFFFF700  }
0x68: {  	[hbm:s15], [sflag:s24] =	dma.local [spmem:s30], $0x900  }
0x69: {  	s23 =	sadd.s32 $0x1, s23;
	_ =	swait.ge [sflag:s18], $0x900  }
0x6a: {  	p0 =	sne.s32 s23, s17;
	[sflag:s18] =	ssyncset.done $0x0  }
.Ltmp2:
0x6b: {  	s31 =	sshrl.u32 s11, $0x3;
	[sflag:s18] =	ssyncadd.s32 $0xFFFFF700;
	(pc) =	sbr.rel @p0 .LBB2_1-.Ltmp2, $4  }
0x6c: {  	[hbm:s16], [sflag:s24] =	dma.local [spmem:s31], $0x900  }
0x6d: {  	_ =	swait.ge [sflag:s18], $0x900  }
0x6e: {  	[sflag:s18] =	ssyncset.done $0x0  }
0x6f: {  	[sflag:s18] =	ssyncadd.s32 $0xFFFFF700  }
0x70: {  	_ =	sfence.sel $0x180000  }
0x71: {  	[bflag:$0x0] =	sbarrier.arrive $0xFFFF  }
0x72: {  	p0 =	sne.s32 s0, $0x0;
	_ =	strace $0x90000047  }
0x73: {  	s0 =	sadd.s32 @!p0 $0x100000, s1;
	[bflag:$0x2] =	sbarrier.arrive $0xFFFF  }
0x74: {  	[sflag:s0] =	ssyncadd.tile.s32 @!p0 $0x1;
	_ =	shalt  }
.Lfunc_end2:
_tile_overlayer_lowered:
.L_overlay_start_2:
0x75: {  	(tag) =	ssettag $0x2  }
0x76: {  	s0 =	rddreg [dreg:$0x0];
	s2 =	stileid.u32  }
0x77: {  	s1 =	rddreg [dreg:$0x1];
	p0 =	sne.s32 s2, $0x0  }
0x78: {  	s3 =	rddreg [dreg:$0x2];
	[bflag:$0x3] =	sbarrier.arrive $0xFFFF;
	s2 =	simm.s32 @!p0 $0x1C02  }
0x79: {  	[timem:s3], [sflag:s2] =	dma.local @!p0 [hbm:s0], s1  }
0x7a: {  	s0 =	simm.s32 @!p0 $0x2  }
0x7b: {  	_ =	swait.ge @!p0 [sflag:s0], s1  }
0x7c: {  	s1 =	ssub.s32 @!p0 $0x0, s1;
	[sflag:s0] =	ssyncset.done @!p0 $0x0  }
0x7d: {  	[sflag:s0] =	ssyncadd.s32 @!p0 s1  }
0x7e: {  	[bflag:$0x3] =	sbarrier.arrive $0xFFFF  }
0x7f: {  	_ =	shalt  }

</sc_bundles>
